<compile_context>
chip_gen: v7x
topology: tpu7x:2x2x1
jax: 0.10.2.dev20260603
libtpu: 0.0.44.dev20260713+nightly
codegen_flags: <defaults>
</compile_context>

<pallas_src>
import jax
import jax.numpy as jnp
import numpy as np
from jax import lax
from jax.experimental import pallas as pl
from jax.experimental.pallas import tpu as pltpu
from jax.experimental.pallas import tpu_sc as plsc

N_NODES = 10000
N_EDGES = 160000
IN_CH = 256
HID = 512
NUM_TEAMS = 30

N_PAD = 10240
E_ROWS = 1280
E_PAD = E_ROWS * 128
PAD_NODE = 10200
STRIPE = N_PAD // 16
NB = 512
GRID = N_PAD // NB

_SC_MESH = dict(core_axis_name="c", subcore_axis_name="s")


def _league_mat() -> np.ndarray:
    iu = np.triu_indices(NUM_TEAMS, k=1)
    lsrc, ldst = iu[0], iu[1]
    deg = np.zeros((NUM_TEAMS,), np.float64)
    np.add.at(deg, ldst, 1.0)
    deg += 1.0
    dis = 1.0 / np.sqrt(deg)
    L = np.zeros((32, 32), np.float64)
    L[ldst, lsrc] = dis[lsrc] * dis[ldst]
    L[np.arange(NUM_TEAMS), np.arange(NUM_TEAMS)] = dis * dis
    return L.astype(np.float32)


_LEAGUE_L = _league_mat()



def _sc_counts_body(dst_hbm, ones_hbm, zeros_hbm, out_hbm, dstv, onesv, acc):
    c = lax.axis_index("c")
    s = lax.axis_index("s")
    w = s * 2 + c
    pltpu.sync_copy(ones_hbm, onesv)
    for z in range(5):
        pltpu.sync_copy(zeros_hbm, acc.at[pl.ds(s * STRIPE + z * 128, 128)])
    pltpu.sync_copy(dst_hbm.at[pl.ds(w * 40, 40)], dstv)
    plsc.subcore_barrier()

    def chunk(j, carry):
        pltpu.sync_copy(onesv, acc.at[dstv.at[j]], add=True)
        return carry

    lax.fori_loop(0, 40, chunk, 0)
    plsc.subcore_barrier()
    pltpu.sync_copy(acc.at[pl.ds(s * STRIPE, STRIPE)],
                    out_hbm.at[c, pl.ds(s * STRIPE, STRIPE)])


_sc_counts = pl.kernel(
    _sc_counts_body,
    out_type=jax.ShapeDtypeStruct((2, N_PAD, 128), jnp.float32),
    mesh=plsc.VectorSubcoreMesh(**_SC_MESH),
    scratch_types=[
        pltpu.VMEM((40, 128), jnp.int32),
        pltpu.VMEM((128, 128), jnp.float32),
        pltpu.VMEM_SHARED((N_PAD, 128), jnp.float32),
    ],
)


def _make_agg(n_groups):
    gpc = n_groups // 2

    def body(xs_hbm, src_hbm, dst_hbm, zeros_hbm, out_hbm,
             srcv, dstv, rowbuf, acc):
        c = lax.axis_index("c")
        s = lax.axis_index("s")
        pltpu.sync_copy(dst_hbm.at[pl.ds(s * 80, 80)], dstv)
        for it in range(gpc):
            g = it * 2 + c
            pltpu.sync_copy(src_hbm.at[g, pl.ds(s * 80, 80)], srcv)
            for z in range(5):
                pltpu.sync_copy(zeros_hbm,
                                acc.at[pl.ds(s * STRIPE + z * 128, 128)])
            plsc.subcore_barrier()

            def chunk(j, carry):
                pltpu.sync_copy(xs_hbm.at[srcv.at[j]], rowbuf)
                pltpu.sync_copy(rowbuf, acc.at[dstv.at[j]], add=True)
                return carry

            lax.fori_loop(0, 80, chunk, 0)
            plsc.subcore_barrier()
            pltpu.sync_copy(acc.at[pl.ds(s * STRIPE, STRIPE)],
                            out_hbm.at[g, pl.ds(s * STRIPE, STRIPE)])

    return pl.kernel(
        body,
        out_type=jax.ShapeDtypeStruct((n_groups, N_PAD, 128), jnp.float32),
        mesh=plsc.VectorSubcoreMesh(**_SC_MESH),
        scratch_types=[
            pltpu.VMEM((80, 128), jnp.int32),
            pltpu.VMEM((80, 128), jnp.int32),
            pltpu.VMEM((128, 128), jnp.float32),
            pltpu.VMEM_SHARED((N_PAD, 128), jnp.float32),
        ],
    )


_sc_agg2 = _make_agg(2)
_sc_agg4 = _make_agg(4)



def _dis_from_counts(cnt_ref):
    deg = cnt_ref[0, :, 0:1] + cnt_ref[1, :, 0:1] + 1.0
    dis = lax.rsqrt(deg)
    return dis


def _ln_lrelu(h, w, b, eps=1e-5):
    m = jnp.mean(h, axis=-1, keepdims=True)
    v = jnp.mean((h - m) ** 2, axis=-1, keepdims=True)
    h = (h - m) * lax.rsqrt(v + eps) * w + b
    return jnp.where(h >= 0, h, 0.01 * h)


def _tc_a_body(x_ref, cnt_ref, o_ref):
    dis = _dis_from_counts(cnt_ref)
    for g in range(2):
        o_ref[g] = dis * x_ref[:, g * 128:(g + 1) * 128]


_tc_a = pl.pallas_call(
    _tc_a_body,
    grid=(GRID,),
    in_specs=[pl.BlockSpec((NB, IN_CH), lambda i: (i, 0)),
              pl.BlockSpec((2, NB, 128), lambda i: (0, i, 0))],
    out_specs=pl.BlockSpec((2, NB, 128), lambda i: (0, i, 0)),
    out_shape=jax.ShapeDtypeStruct((2, N_PAD, 128), jnp.float32),
)


def _tc_b_body(s1_ref, x_ref, cnt_ref, w1_ref, b1_ref, lw_ref, lb_ref,
               w2_ref, go_ref, gs_ref):
    dis = _dis_from_counts(cnt_ref)
    dis2 = dis * dis
    m1 = (jnp.dot(s1_ref[0], w1_ref[0:128, :],
                  preferred_element_type=jnp.float32) +
          jnp.dot(s1_ref[1], w1_ref[128:256, :],
                  preferred_element_type=jnp.float32))
    m2 = jnp.dot(x_ref[...], w1_ref[...], preferred_element_type=jnp.float32)
    pre = dis * m1 + dis2 * m2 + b1_ref[...]
    h = _ln_lrelu(pre, lw_ref[...], lb_ref[...])
    gmat = jnp.dot(h, w2_ref[...], preferred_element_type=jnp.float32)
    go_ref[...] = gmat
    for g in range(4):
        gs_ref[g] = dis * gmat[:, g * 128:(g + 1) * 128]


_tc_b = pl.pallas_call(
    _tc_b_body,
    grid=(GRID,),
    in_specs=[pl.BlockSpec((2, NB, 128), lambda i: (0, i, 0)),
              pl.BlockSpec((NB, IN_CH), lambda i: (i, 0)),
              pl.BlockSpec((2, NB, 128), lambda i: (0, i, 0)),
              pl.BlockSpec((IN_CH, HID), lambda i: (0, 0)),
              pl.BlockSpec((1, HID), lambda i: (0, 0)),
              pl.BlockSpec((1, HID), lambda i: (0, 0)),
              pl.BlockSpec((1, HID), lambda i: (0, 0)),
              pl.BlockSpec((HID, HID), lambda i: (0, 0))],
    out_specs=[pl.BlockSpec((NB, HID), lambda i: (i, 0)),
               pl.BlockSpec((4, NB, 128), lambda i: (0, i, 0))],
    out_shape=[jax.ShapeDtypeStruct((N_PAD, HID), jnp.float32),
               jax.ShapeDtypeStruct((4, N_PAD, 128), jnp.float32)],
)


def _tc_c_body(s2_ref, g_ref, cnt_ref, b2_ref, lw_ref, lb_ref, batch_ref,
               L_ref, wl1_ref, bl1_ref, l1w_ref, l1b_ref,
               wl2_ref, bl2_ref, l2w_ref, l2b_ref, fcw_ref, fcb_ref,
               sums_ref, cnto_ref, po_ref):
    i = pl.program_id(0)
    dis = _dis_from_counts(cnt_ref)
    dis2 = dis * dis
    cat = jnp.concatenate([s2_ref[0], s2_ref[1], s2_ref[2], s2_ref[3]],
                          axis=1)
    pre = dis * cat + dis2 * g_ref[...] + b2_ref[...]
    h2 = _ln_lrelu(pre, lw_ref[...], lb_ref[...])
    ti = lax.broadcasted_iota(jnp.int32, (32, NB), 0)
    P = (batch_ref[...] == ti).astype(jnp.float32)
    su = jnp.dot(P, h2, preferred_element_type=jnp.float32)
    cn = jnp.broadcast_to(jnp.sum(P, axis=1, keepdims=True), (32, 128))

    @pl.when(i == 0)
    def _():
        sums_ref[...] = jnp.zeros_like(sums_ref)
        cnto_ref[...] = jnp.zeros_like(cnto_ref)

    sums_ref[...] += su
    cnto_ref[...] += cn

    @pl.when(i == GRID - 1)
    def _():
        cnt = jnp.maximum(cnto_ref[:, 0:1], 1.0)
        team = sums_ref[...] / cnt
        L = L_ref[...]
        tt = jnp.dot(L, jnp.dot(team, wl1_ref[...],
                                preferred_element_type=jnp.float32),
                     preferred_element_type=jnp.float32) + bl1_ref[...]
        tt = _ln_lrelu(tt, l1w_ref[...], l1b_ref[...])
        tt = jnp.dot(L, jnp.dot(tt, wl2_ref[...],
                                preferred_element_type=jnp.float32),
                     preferred_element_type=jnp.float32) + bl2_ref[...]
        tt = _ln_lrelu(tt, l2w_ref[...], l2b_ref[...])
        tt = tt + team
        po_ref[...] = jnp.dot(tt, fcw_ref[...],
                              preferred_element_type=jnp.float32) + fcb_ref[...]


_tc_c = pl.pallas_call(
    _tc_c_body,
    grid=(GRID,),
    in_specs=[pl.BlockSpec((4, NB, 128), lambda i: (0, i, 0)),
              pl.BlockSpec((NB, HID), lambda i: (i, 0)),
              pl.BlockSpec((2, NB, 128), lambda i: (0, i, 0)),
              pl.BlockSpec((1, HID), lambda i: (0, 0)),
              pl.BlockSpec((1, HID), lambda i: (0, 0)),
              pl.BlockSpec((1, HID), lambda i: (0, 0)),
              pl.BlockSpec((1, NB), lambda i: (0, i)),
              pl.BlockSpec((32, 32), lambda i: (0, 0)),
              pl.BlockSpec((HID, HID), lambda i: (0, 0)),
              pl.BlockSpec((1, HID), lambda i: (0, 0)),
              pl.BlockSpec((1, HID), lambda i: (0, 0)),
              pl.BlockSpec((1, HID), lambda i: (0, 0)),
              pl.BlockSpec((HID, HID), lambda i: (0, 0)),
              pl.BlockSpec((1, HID), lambda i: (0, 0)),
              pl.BlockSpec((1, HID), lambda i: (0, 0)),
              pl.BlockSpec((1, HID), lambda i: (0, 0)),
              pl.BlockSpec((HID, 128), lambda i: (0, 0)),
              pl.BlockSpec((1, 128), lambda i: (0, 0))],
    out_specs=[pl.BlockSpec((32, HID), lambda i: (0, 0)),
               pl.BlockSpec((32, 128), lambda i: (0, 0)),
               pl.BlockSpec((32, 128), lambda i: (0, 0))],
    out_shape=[jax.ShapeDtypeStruct((32, HID), jnp.float32),
               jax.ShapeDtypeStruct((32, 128), jnp.float32),
               jax.ShapeDtypeStruct((32, 128), jnp.float32)],
)





def kernel(x, edge_index, batch, W1, b1, ln1_w, ln1_b, W2, b2, ln2_w, ln2_b,
           Wl1, bl1, lnl1_w, lnl1_b, Wl2, bl2, lnl2_w, lnl2_b, fc_w, fc_b):
    src, dst = edge_index[0], edge_index[1]
    pad = PAD_NODE + (jnp.arange(E_PAD - N_EDGES, dtype=jnp.int32) % 40)
    srcp = jnp.concatenate([src, pad]).reshape(E_ROWS, 128)
    dstp = jnp.concatenate([dst, pad]).reshape(E_ROWS, 128)
    off2 = (jnp.arange(2, dtype=jnp.int32) * N_PAD)[:, None, None]
    off4 = (jnp.arange(4, dtype=jnp.int32) * N_PAD)[:, None, None]
    src2 = srcp[None] + off2
    src4 = srcp[None] + off4
    xp = jnp.concatenate(
        [x, jnp.zeros((N_PAD - N_NODES, IN_CH), jnp.float32)])
    batch2d = jnp.concatenate(
        [batch, jnp.full((N_PAD - N_NODES,), 99, jnp.int32)]).reshape(1, N_PAD)
    zeros128 = jnp.zeros((128, 128), jnp.float32)
    ones128 = jnp.ones((128, 128), jnp.float32)

    cnts = _sc_counts(dstp, ones128, zeros128)
    xs2 = _tc_a(xp, cnts)
    s1 = _sc_agg2(xs2.reshape(2 * N_PAD, 128), src2, dstp, zeros128)
    gmat, gs4 = _tc_b(s1, xp, cnts, W1, b1.reshape(1, HID),
                      ln1_w.reshape(1, HID), ln1_b.reshape(1, HID), W2)
    s2 = _sc_agg4(gs4.reshape(4 * N_PAD, 128), src4, dstp, zeros128)
    _, _, outd = _tc_c(s2, gmat, cnts, b2.reshape(1, HID),
                       ln2_w.reshape(1, HID), ln2_b.reshape(1, HID), batch2d,
                       jnp.asarray(_LEAGUE_L), Wl1,
                       bl1.reshape(1, HID), lnl1_w.reshape(1, HID),
                       lnl1_b.reshape(1, HID), Wl2, bl2.reshape(1, HID),
                       lnl2_w.reshape(1, HID), lnl2_b.reshape(1, HID),
                       jnp.broadcast_to(fc_w, (HID, 128)),
                       jnp.broadcast_to(fc_b.reshape(1, 1), (1, 128)))
    return outd[:NUM_TEAMS, 0]

# --- scband reference (transcript-rebuilt; emitter-appended) ---
"""Pipeline reference for scband-league-gnn-61160334295459 (READ-ONLY COPY).

The authoritative reference and input builder live on the scoring server;
editing this copy changes nothing except your own understanding.
"""

import jax, jax.numpy as jnp
import numpy as np

N_NODES = 10000
N_EDGES = 160000
IN_CH = 256
HID = 512
NUM_TEAMS = 30


def _glorot(key, shape):
    fan_in, fan_out = shape[0], shape[1]
    lim = jnp.sqrt(6.0 / (fan_in + fan_out))
    return jax.random.uniform(key, shape, jnp.float32, -lim, lim)


def setup_inputs(seed: int = 0) -> dict:
    key = jax.random.key(seed)
    ks = jax.random.split(key, 12)
    x = jax.random.normal(ks[0], (N_NODES, IN_CH), dtype=jnp.float32)
    edge_index = jax.random.randint(ks[1], (2, N_EDGES), 0, N_NODES, dtype=jnp.int64 if jax.config.jax_enable_x64 else jnp.int32).astype(jnp.int32)
    batch = jnp.sort(jax.random.randint(ks[2], (N_NODES,), 0, NUM_TEAMS)).astype(jnp.int32)
    return {
        'x': x,
        'edge_index': edge_index,
        'batch': batch,
        'W1': _glorot(ks[3], (IN_CH, HID)), 'b1': jnp.zeros((HID,), jnp.float32),
        'ln1_w': jnp.ones((HID,), jnp.float32), 'ln1_b': jnp.zeros((HID,), jnp.float32),
        'W2': _glorot(ks[4], (HID, HID)), 'b2': jnp.zeros((HID,), jnp.float32),
        'ln2_w': jnp.ones((HID,), jnp.float32), 'ln2_b': jnp.zeros((HID,), jnp.float32),
        'Wl1': _glorot(ks[5], (HID, HID)), 'bl1': jnp.zeros((HID,), jnp.float32),
        'lnl1_w': jnp.ones((HID,), jnp.float32), 'lnl1_b': jnp.zeros((HID,), jnp.float32),
        'Wl2': _glorot(ks[6], (HID, HID)), 'bl2': jnp.zeros((HID,), jnp.float32),
        'lnl2_w': jnp.ones((HID,), jnp.float32), 'lnl2_b': jnp.zeros((HID,), jnp.float32),
        'fc_w': _glorot(ks[7], (HID, 1)), 'fc_b': jnp.zeros((1,), jnp.float32),
    }


def _gcn_conv(x, W, b, src, dst, n):
    # PyG GCNConv: linear transform, add self-loops, symmetric normalization, scatter-add
    h = x @ W
    sl = jnp.arange(n, dtype=src.dtype)
    src2 = jnp.concatenate([src, sl])
    dst2 = jnp.concatenate([dst, sl])
    ones = jnp.ones(src2.shape[0], dtype=x.dtype)
    deg = jax.ops.segment_sum(ones, dst2, num_segments=n)
    dis = jnp.where(deg > 0, jax.lax.rsqrt(jnp.maximum(deg, 1e-12)), 0.0)
    norm = dis[src2] * dis[dst2]
    out = jax.ops.segment_sum(norm[:, None] * h[src2], dst2, num_segments=n)
    return out + b


def _layernorm(x, w, b, eps=1e-5):
    m = jnp.mean(x, axis=-1, keepdims=True)
    v = jnp.mean((x - m) ** 2, axis=-1, keepdims=True)
    return (x - m) * jax.lax.rsqrt(v + eps) * w + b


def _leaky_relu(x, slope=0.01):
    return jnp.where(x >= 0, x, slope * x)


def reference(x, edge_index, batch, W1, b1, ln1_w, ln1_b, W2, b2, ln2_w, ln2_b,
              Wl1, bl1, lnl1_w, lnl1_b, Wl2, bl2, lnl2_w, lnl2_b, fc_w, fc_b):
    src, dst = edge_index[0], edge_index[1]
    n = x.shape[0]
    # TeamGNN
    h = _gcn_conv(x, W1, b1, src, dst, n)
    h = _layernorm(h, ln1_w, ln1_b)
    h = _leaky_relu(h)
    h = _gcn_conv(h, W2, b2, src, dst, n)
    h = _layernorm(h, ln2_w, ln2_b)
    h = _leaky_relu(h)
    # global mean pool over batch -> team embeddings
    sums = jax.ops.segment_sum(h, batch, num_segments=NUM_TEAMS)
    cnts = jax.ops.segment_sum(jnp.ones((n,), h.dtype), batch, num_segments=NUM_TEAMS)
    team_emb = sums / jnp.maximum(cnts, 1.0)[:, None]
    # league graph: combinations of team indices (i < j)
    iu = np.triu_indices(NUM_TEAMS, k=1)
    lsrc = jnp.asarray(iu[0], dtype=jnp.int32)
    ldst = jnp.asarray(iu[1], dtype=jnp.int32)
    x0 = team_emb
    t = _gcn_conv(team_emb, Wl1, bl1, lsrc, ldst, NUM_TEAMS)
    t = _layernorm(t, lnl1_w, lnl1_b)
    t = _leaky_relu(t)
    t = _gcn_conv(t, Wl2, bl2, lsrc, ldst, NUM_TEAMS)
    t = _layernorm(t, lnl2_w, lnl2_b)
    t = _leaky_relu(t)
    t = t + x0
    preds = (t @ fc_w + fc_b).squeeze(-1)
    return preds

if __name__ == "__main__":
    import jax
    _d = setup_inputs()
    print(jax.jit(kernel)(*tuple(_d.values())))

</pallas_src>

<mosaic_0001>
#map = affine_map<(d0, d1) -> (0, 0)>
#map1 = affine_map<(d0, d1) -> (0, 0, 0)>
module attributes {stable_mosaic.version = 14 : i64} {
  func.func @body(%arg0: i32, %arg1: i32, %arg2: memref<20480x128xf32, #tpu.memory_space<hbm>>, %arg3: memref<2x1280x128xi32, #tpu.memory_space<hbm>>, %arg4: memref<1280x128xi32, #tpu.memory_space<hbm>>, %arg5: memref<128x128xf32, #tpu.memory_space<hbm>>, %arg6: memref<2x10240x128xf32, #tpu.memory_space<hbm>>, %arg7: memref<80x128xi32, #tpu.memory_space<vmem>>, %arg8: memref<80x128xi32, #tpu.memory_space<vmem>>, %arg9: memref<128x128xf32, #tpu.memory_space<vmem>>, %arg10: memref<10240x128xf32, #tpu.memory_space<vmem_shared>>) attributes {dimension_semantics = [#tpu.dimension_semantics<core_parallel>, #tpu.dimension_semantics<subcore_parallel>], iteration_bounds = array<i64: 2, 16>, scalar_prefetch = 0 : i64, scratch_operands = 4 : i64, tpu.core_type = #tpu.core_type<sc_vector_subcore>, window_params = [{transform_indices = #map}, {transform_indices = #map1}, {transform_indices = #map}, {transform_indices = #map}, {transform_indices = #map1}]} {
    %mul3A = arith.constant 80 : i32
    %mul3A_0 = arith.muli %arg1, %mul3A : i32
    "tpu.region"() ({
      %run_scoped3A = tpu.sem_alloc : memref<!tpu.dma_semaphore, #tpu.memory_space<semaphore_mem>>
      %dma_start3A = arith.constant 0 : i32
      %dma_start3A_34 = tpu.memref_slice %arg4[%mul3A_0, %dma_start3A] : memref<1280x128xi32, #tpu.memory_space<hbm>> -> memref<80x128xi32, #tpu.memory_space<hbm>>
      %dma_start3A_35 = arith.constant 0 : i32
      %dma_start3A_36 = tpu.memref_slice %arg4[%mul3A_0, %dma_start3A_35] : memref<1280x128xi32, #tpu.memory_space<hbm>> -> memref<80x128xi32, #tpu.memory_space<hbm>>
      tpu.enqueue_dma source(%dma_start3A_36 : memref<80x128xi32, #tpu.memory_space<hbm>>) target(%arg8 : memref<80x128xi32, #tpu.memory_space<vmem>>) target_semaphore(%run_scoped3A : memref<!tpu.dma_semaphore, #tpu.memory_space<semaphore_mem>>)
      %dma_wait3A = arith.constant 0 : i32
      %dma_wait3A_37 = tpu.memref_slice %arg4[%mul3A_0, %dma_wait3A] : memref<1280x128xi32, #tpu.memory_space<hbm>> -> memref<80x128xi32, #tpu.memory_space<hbm>>
      %dma_wait3A_38 = arith.constant 0 : i32
      %dma_wait3A_39 = tpu.memref_slice %arg4[%mul3A_0, %dma_wait3A_38] : memref<1280x128xi32, #tpu.memory_space<hbm>> -> memref<80x128xi32, #tpu.memory_space<hbm>>
      tpu.wait_dma2 semaphore(%run_scoped3A : memref<!tpu.dma_semaphore, #tpu.memory_space<semaphore_mem>>) src(%dma_wait3A_39 : memref<80x128xi32, #tpu.memory_space<hbm>>) dst(%arg8 : memref<80x128xi32, #tpu.memory_space<vmem>>)
      tpu.yield
    }) : () -> ()
    %add3A = arith.constant 0 : i32
    %add3A_1 = arith.addi %add3A, %arg0 : i32
    %mul3A_2 = arith.constant 80 : i32
    %mul3A_3 = arith.muli %arg1, %mul3A_2 : i32
    "tpu.region"() ({
      %run_scoped3A = tpu.sem_alloc : memref<!tpu.dma_semaphore, #tpu.memory_space<semaphore_mem>>
      %dma_start3A = arith.constant 0 : i32
      %dma_start3A_34 = tpu.memref_slice %arg3[%add3A_1, %mul3A_3, %dma_start3A] : memref<2x1280x128xi32, #tpu.memory_space<hbm>> -> memref<1x80x128xi32, #tpu.memory_space<hbm>>
      %dma_start3A_35 = tpu.memref_squeeze %dma_start3A_34 : memref<1x80x128xi32, #tpu.memory_space<hbm>> -> memref<80x128xi32, #tpu.memory_space<hbm>>
      %dma_start3A_36 = arith.constant 0 : i32
      %dma_start3A_37 = tpu.memref_slice %arg3[%add3A_1, %mul3A_3, %dma_start3A_36] : memref<2x1280x128xi32, #tpu.memory_space<hbm>> -> memref<1x80x128xi32, #tpu.memory_space<hbm>>
      %dma_start3A_38 = tpu.memref_squeeze %dma_start3A_37 : memref<1x80x128xi32, #tpu.memory_space<hbm>> -> memref<80x128xi32, #tpu.memory_space<hbm>>
      tpu.enqueue_dma source(%dma_start3A_38 : memref<80x128xi32, #tpu.memory_space<hbm>>) target(%arg7 : memref<80x128xi32, #tpu.memory_space<vmem>>) target_semaphore(%run_scoped3A : memref<!tpu.dma_semaphore, #tpu.memory_space<semaphore_mem>>)
      %dma_wait3A = arith.constant 0 : i32
      %dma_wait3A_39 = tpu.memref_slice %arg3[%add3A_1, %mul3A_3, %dma_wait3A] : memref<2x1280x128xi32, #tpu.memory_space<hbm>> -> memref<1x80x128xi32, #tpu.memory_space<hbm>>
      %dma_wait3A_40 = tpu.memref_squeeze %dma_wait3A_39 : memref<1x80x128xi32, #tpu.memory_space<hbm>> -> memref<80x128xi32, #tpu.memory_space<hbm>>
      %dma_wait3A_41 = arith.constant 0 : i32
      %dma_wait3A_42 = tpu.memref_slice %arg3[%add3A_1, %mul3A_3, %dma_wait3A_41] : memref<2x1280x128xi32, #tpu.memory_space<hbm>> -> memref<1x80x128xi32, #tpu.memory_space<hbm>>
      %dma_wait3A_43 = tpu.memref_squeeze %dma_wait3A_42 : memref<1x80x128xi32, #tpu.memory_space<hbm>> -> memref<80x128xi32, #tpu.memory_space<hbm>>
      tpu.wait_dma2 semaphore(%run_scoped3A : memref<!tpu.dma_semaphore, #tpu.memory_space<semaphore_mem>>) src(%dma_wait3A_43 : memref<80x128xi32, #tpu.memory_space<hbm>>) dst(%arg7 : memref<80x128xi32, #tpu.memory_space<vmem>>)
      tpu.yield
    }) : () -> ()
    %mul3A_4 = arith.constant 640 : i32
    %mul3A_5 = arith.muli %arg1, %mul3A_4 : i32
    %add3A_6 = arith.constant 0 : i32
    %add3A_7 = arith.addi %mul3A_5, %add3A_6 : i32
    "tpu.region"() ({
      %run_scoped3A = tpu.sem_alloc : memref<!tpu.dma_semaphore, #tpu.memory_space<semaphore_mem>>
      %dma_start3A = arith.constant 0 : i32
      %dma_start3A_34 = tpu.memref_slice %arg10[%add3A_7, %dma_start3A] : memref<10240x128xf32, #tpu.memory_space<vmem_shared>> -> memref<128x128xf32, #tpu.memory_space<vmem_shared>>
      tpu.enqueue_dma source(%arg5 : memref<128x128xf32, #tpu.memory_space<hbm>>) target(%dma_start3A_34 : memref<128x128xf32, #tpu.memory_space<vmem_shared>>) target_semaphore(%run_scoped3A : memref<!tpu.dma_semaphore, #tpu.memory_space<semaphore_mem>>)
      %dma_wait3A = arith.constant 0 : i32
      %dma_wait3A_35 = tpu.memref_slice %arg10[%add3A_7, %dma_wait3A] : memref<10240x128xf32, #tpu.memory_space<vmem_shared>> -> memref<128x128xf32, #tpu.memory_space<vmem_shared>>
      tpu.wait_dma2 semaphore(%run_scoped3A : memref<!tpu.dma_semaphore, #tpu.memory_space<semaphore_mem>>) src(%arg5 : memref<128x128xf32, #tpu.memory_space<hbm>>) dst(%dma_wait3A_35 : memref<128x128xf32, #tpu.memory_space<vmem_shared>>)
      tpu.yield
    }) : () -> ()
    %mul3A_8 = arith.constant 640 : i32
    %mul3A_9 = arith.muli %arg1, %mul3A_8 : i32
    %add3A_10 = arith.constant 128 : i32
    %add3A_11 = arith.addi %mul3A_9, %add3A_10 : i32
    "tpu.region"() ({
      %run_scoped3A = tpu.sem_alloc : memref<!tpu.dma_semaphore, #tpu.memory_space<semaphore_mem>>
      %dma_start3A = arith.constant 0 : i32
      %dma_start3A_34 = tpu.memref_slice %arg10[%add3A_11, %dma_start3A] : memref<10240x128xf32, #tpu.memory_space<vmem_shared>> -> memref<128x128xf32, #tpu.memory_space<vmem_shared>>
      tpu.enqueue_dma source(%arg5 : memref<128x128xf32, #tpu.memory_space<hbm>>) target(%dma_start3A_34 : memref<128x128xf32, #tpu.memory_space<vmem_shared>>) target_semaphore(%run_scoped3A : memref<!tpu.dma_semaphore, #tpu.memory_space<semaphore_mem>>)
      %dma_wait3A = arith.constant 0 : i32
      %dma_wait3A_35 = tpu.memref_slice %arg10[%add3A_11, %dma_wait3A] : memref<10240x128xf32, #tpu.memory_space<vmem_shared>> -> memref<128x128xf32, #tpu.memory_space<vmem_shared>>
      tpu.wait_dma2 semaphore(%run_scoped3A : memref<!tpu.dma_semaphore, #tpu.memory_space<semaphore_mem>>) src(%arg5 : memref<128x128xf32, #tpu.memory_space<hbm>>) dst(%dma_wait3A_35 : memref<128x128xf32, #tpu.memory_space<vmem_shared>>)
      tpu.yield
    }) : () -> ()
    %mul3A_12 = arith.constant 640 : i32
    %mul3A_13 = arith.muli %arg1, %mul3A_12 : i32
    %add3A_14 = arith.constant 256 : i32
    %add3A_15 = arith.addi %mul3A_13, %add3A_14 : i32
    "tpu.region"() ({
      %run_scoped3A = tpu.sem_alloc : memref<!tpu.dma_semaphore, #tpu.memory_space<semaphore_mem>>
      %dma_start3A = arith.constant 0 : i32
      %dma_start3A_34 = tpu.memref_slice %arg10[%add3A_15, %dma_start3A] : memref<10240x128xf32, #tpu.memory_space<vmem_shared>> -> memref<128x128xf32, #tpu.memory_space<vmem_shared>>
      tpu.enqueue_dma source(%arg5 : memref<128x128xf32, #tpu.memory_space<hbm>>) target(%dma_start3A_34 : memref<128x128xf32, #tpu.memory_space<vmem_shared>>) target_semaphore(%run_scoped3A : memref<!tpu.dma_semaphore, #tpu.memory_space<semaphore_mem>>)
      %dma_wait3A = arith.constant 0 : i32
      %dma_wait3A_35 = tpu.memref_slice %arg10[%add3A_15, %dma_wait3A] : memref<10240x128xf32, #tpu.memory_space<vmem_shared>> -> memref<128x128xf32, #tpu.memory_space<vmem_shared>>
      tpu.wait_dma2 semaphore(%run_scoped3A : memref<!tpu.dma_semaphore, #tpu.memory_space<semaphore_mem>>) src(%arg5 : memref<128x128xf32, #tpu.memory_space<hbm>>) dst(%dma_wait3A_35 : memref<128x128xf32, #tpu.memory_space<vmem_shared>>)
      tpu.yield
    }) : () -> ()
    %mul3A_16 = arith.constant 640 : i32
    %mul3A_17 = arith.muli %arg1, %mul3A_16 : i32
    %add3A_18 = arith.constant 384 : i32
    %add3A_19 = arith.addi %mul3A_17, %add3A_18 : i32
    "tpu.region"() ({
      %run_scoped3A = tpu.sem_alloc : memref<!tpu.dma_semaphore, #tpu.memory_space<semaphore_mem>>
      %dma_start3A = arith.constant 0 : i32
      %dma_start3A_34 = tpu.memref_slice %arg10[%add3A_19, %dma_start3A] : memref<10240x128xf32, #tpu.memory_space<vmem_shared>> -> memref<128x128xf32, #tpu.memory_space<vmem_shared>>
      tpu.enqueue_dma source(%arg5 : memref<128x128xf32, #tpu.memory_space<hbm>>) target(%dma_start3A_34 : memref<128x128xf32, #tpu.memory_space<vmem_shared>>) target_semaphore(%run_scoped3A : memref<!tpu.dma_semaphore, #tpu.memory_space<semaphore_mem>>)
      %dma_wait3A = arith.constant 0 : i32
      %dma_wait3A_35 = tpu.memref_slice %arg10[%add3A_19, %dma_wait3A] : memref<10240x128xf32, #tpu.memory_space<vmem_shared>> -> memref<128x128xf32, #tpu.memory_space<vmem_shared>>
      tpu.wait_dma2 semaphore(%run_scoped3A : memref<!tpu.dma_semaphore, #tpu.memory_space<semaphore_mem>>) src(%arg5 : memref<128x128xf32, #tpu.memory_space<hbm>>) dst(%dma_wait3A_35 : memref<128x128xf32, #tpu.memory_space<vmem_shared>>)
      tpu.yield
    }) : () -> ()
    %mul3A_20 = arith.constant 640 : i32
    %mul3A_21 = arith.muli %arg1, %mul3A_20 : i32
    %add3A_22 = arith.constant 512 : i32
    %add3A_23 = arith.addi %mul3A_21, %add3A_22 : i32
    "tpu.region"() ({
      %run_scoped3A = tpu.sem_alloc : memref<!tpu.dma_semaphore, #tpu.memory_space<semaphore_mem>>
      %dma_start3A = arith.constant 0 : i32
      %dma_start3A_34 = tpu.memref_slice %arg10[%add3A_23, %dma_start3A] : memref<10240x128xf32, #tpu.memory_space<vmem_shared>> -> memref<128x128xf32, #tpu.memory_space<vmem_shared>>
      tpu.enqueue_dma source(%arg5 : memref<128x128xf32, #tpu.memory_space<hbm>>) target(%dma_start3A_34 : memref<128x128xf32, #tpu.memory_space<vmem_shared>>) target_semaphore(%run_scoped3A : memref<!tpu.dma_semaphore, #tpu.memory_space<semaphore_mem>>)
      %dma_wait3A = arith.constant 0 : i32
      %dma_wait3A_35 = tpu.memref_slice %arg10[%add3A_23, %dma_wait3A] : memref<10240x128xf32, #tpu.memory_space<vmem_shared>> -> memref<128x128xf32, #tpu.memory_space<vmem_shared>>
      tpu.wait_dma2 semaphore(%run_scoped3A : memref<!tpu.dma_semaphore, #tpu.memory_space<semaphore_mem>>) src(%arg5 : memref<128x128xf32, #tpu.memory_space<hbm>>) dst(%dma_wait3A_35 : memref<128x128xf32, #tpu.memory_space<vmem_shared>>)
      tpu.yield
    }) : () -> ()
    %barrier3A = arith.constant 0 : index
    tpu.barrier barrier_id(%barrier3A)
    %scan3A = arith.constant 0 : i32
    %scan3A_24 = arith.constant 0 : i32
    %scan3A_25 = arith.constant 80 : i32
    %scan3A_26 = arith.addi %scan3A_24, %scan3A_25 : i32
    %scan3A_27 = arith.constant 1 : i32
    scf.for %scan3A_34 = %scan3A_24 to %scan3A_26 step %scan3A_27  : i32 {
      "tpu.region"() ({
        %run_scoped3A = tpu.sem_alloc : memref<!tpu.dma_semaphore, #tpu.memory_space<semaphore_mem>>
        %dma_start3A = arith.constant 0 : i32
        %dma_start3A_35 = tpu.memref_slice %arg7[%scan3A_34, %dma_start3A] : memref<80x128xi32, #tpu.memory_space<vmem>> -> memref<1x128xi32, #tpu.memory_space<vmem>>
        %dma_start3A_36 = tpu.memref_squeeze %dma_start3A_35 : memref<1x128xi32, #tpu.memory_space<vmem>> -> memref<128xi32, #tpu.memory_space<vmem>>
        %dma_start3A_37 = arith.constant 0 : i32
        %dma_start3A_38 = arith.constant 0 : i32
        %dma_start3A_39 = tpu.memref_slice %arg2[%dma_start3A_37, %dma_start3A_38] : memref<20480x128xf32, #tpu.memory_space<hbm>> -> memref<20480x128xf32, #tpu.memory_space<hbm>>
        tpu.enqueue_indirect_dma source(%dma_start3A_39 : memref<20480x128xf32, #tpu.memory_space<hbm>>) target(%arg9 : memref<128x128xf32, #tpu.memory_space<vmem>>) offsets(%dma_start3A_36 : memref<128xi32, #tpu.memory_space<vmem>>) semaphore(%run_scoped3A : memref<!tpu.dma_semaphore, #tpu.memory_space<semaphore_mem>>)
        %dma_wait3A = arith.constant 0 : i32
        %dma_wait3A_40 = tpu.memref_slice %arg7[%scan3A_34, %dma_wait3A] : memref<80x128xi32, #tpu.memory_space<vmem>> -> memref<1x128xi32, #tpu.memory_space<vmem>>
        %dma_wait3A_41 = tpu.memref_squeeze %dma_wait3A_40 : memref<1x128xi32, #tpu.memory_space<vmem>> -> memref<128xi32, #tpu.memory_space<vmem>>
        %dma_wait3A_42 = arith.constant 0 : i32
        %dma_wait3A_43 = arith.constant 0 : i32
        %dma_wait3A_44 = tpu.memref_slice %arg2[%dma_wait3A_42, %dma_wait3A_43] : memref<20480x128xf32, #tpu.memory_space<hbm>> -> memref<20480x128xf32, #tpu.memory_space<hbm>>
        tpu.wait_indirect_dma semaphore(%run_scoped3A : memref<!tpu.dma_semaphore, #tpu.memory_space<semaphore_mem>>) src(%dma_wait3A_44 : memref<20480x128xf32, #tpu.memory_space<hbm>>) dst(%arg9 : memref<128x128xf32, #tpu.memory_space<vmem>>)
        tpu.yield
      }) : () -> ()
      "tpu.region"() ({
        %run_scoped3A = tpu.sem_alloc : memref<!tpu.dma_semaphore, #tpu.memory_space<semaphore_mem>>
        %dma_start3A = arith.constant 0 : i32
        %dma_start3A_35 = tpu.memref_slice %arg8[%scan3A_34, %dma_start3A] : memref<80x128xi32, #tpu.memory_space<vmem>> -> memref<1x128xi32, #tpu.memory_space<vmem>>
        %dma_start3A_36 = tpu.memref_squeeze %dma_start3A_35 : memref<1x128xi32, #tpu.memory_space<vmem>> -> memref<128xi32, #tpu.memory_space<vmem>>
        %dma_start3A_37 = arith.constant 0 : i32
        %dma_start3A_38 = arith.constant 0 : i32
        %dma_start3A_39 = tpu.memref_slice %arg10[%dma_start3A_37, %dma_start3A_38] : memref<10240x128xf32, #tpu.memory_space<vmem_shared>> -> memref<10240x128xf32, #tpu.memory_space<vmem_shared>>
        tpu.enqueue_indirect_dma source(%arg9 : memref<128x128xf32, #tpu.memory_space<vmem>>) target(%dma_start3A_39 : memref<10240x128xf32, #tpu.memory_space<vmem_shared>>) offsets(%dma_start3A_36 : memref<128xi32, #tpu.memory_space<vmem>>) semaphore(%run_scoped3A : memref<!tpu.dma_semaphore, #tpu.memory_space<semaphore_mem>>) {add = true}
        %dma_wait3A = arith.constant 0 : i32
        %dma_wait3A_40 = tpu.memref_slice %arg8[%scan3A_34, %dma_wait3A] : memref<80x128xi32, #tpu.memory_space<vmem>> -> memref<1x128xi32, #tpu.memory_space<vmem>>
        %dma_wait3A_41 = tpu.memref_squeeze %dma_wait3A_40 : memref<1x128xi32, #tpu.memory_space<vmem>> -> memref<128xi32, #tpu.memory_space<vmem>>
        %dma_wait3A_42 = arith.constant 0 : i32
        %dma_wait3A_43 = arith.constant 0 : i32
        %dma_wait3A_44 = tpu.memref_slice %arg10[%dma_wait3A_42, %dma_wait3A_43] : memref<10240x128xf32, #tpu.memory_space<vmem_shared>> -> memref<10240x128xf32, #tpu.memory_space<vmem_shared>>
        tpu.wait_indirect_dma semaphore(%run_scoped3A : memref<!tpu.dma_semaphore, #tpu.memory_space<semaphore_mem>>) src(%arg9 : memref<128x128xf32, #tpu.memory_space<vmem>>) dst(%dma_wait3A_44 : memref<10240x128xf32, #tpu.memory_space<vmem_shared>>)
        tpu.yield
      }) : () -> ()
    }
    %scan3A_28 = arith.constant 80 : i32
    %barrier3A_29 = arith.constant 0 : index
    tpu.barrier barrier_id(%barrier3A_29)
    %mul3A_30 = arith.constant 640 : i32
    %mul3A_31 = arith.muli %arg1, %mul3A_30 : i32
    %mul3A_32 = arith.constant 640 : i32
    %mul3A_33 = arith.muli %arg1, %mul3A_32 : i32
    "tpu.region"() ({
      %run_scoped3A = tpu.sem_alloc : memref<!tpu.dma_semaphore, #tpu.memory_space<semaphore_mem>>
      %dma_start3A = arith.constant 0 : i32
      %dma_start3A_34 = tpu.memref_slice %arg6[%add3A_1, %mul3A_33, %dma_start3A] : memref<2x10240x128xf32, #tpu.memory_space<hbm>> -> memref<1x640x128xf32, #tpu.memory_space<hbm>>
      %dma_start3A_35 = tpu.memref_squeeze %dma_start3A_34 : memref<1x640x128xf32, #tpu.memory_space<hbm>> -> memref<640x128xf32, #tpu.memory_space<hbm>>
      %dma_start3A_36 = arith.constant 0 : i32
      %dma_start3A_37 = tpu.memref_slice %arg10[%mul3A_31, %dma_start3A_36] : memref<10240x128xf32, #tpu.memory_space<vmem_shared>> -> memref<640x128xf32, #tpu.memory_space<vmem_shared>>
      tpu.enqueue_dma source(%dma_start3A_37 : memref<640x128xf32, #tpu.memory_space<vmem_shared>>) target(%dma_start3A_35 : memref<640x128xf32, #tpu.memory_space<hbm>>) target_semaphore(%run_scoped3A : memref<!tpu.dma_semaphore, #tpu.memory_space<semaphore_mem>>)
      %dma_wait3A = arith.constant 0 : i32
      %dma_wait3A_38 = tpu.memref_slice %arg6[%add3A_1, %mul3A_33, %dma_wait3A] : memref<2x10240x128xf32, #tpu.memory_space<hbm>> -> memref<1x640x128xf32, #tpu.memory_space<hbm>>
      %dma_wait3A_39 = tpu.memref_squeeze %dma_wait3A_38 : memref<1x640x128xf32, #tpu.memory_space<hbm>> -> memref<640x128xf32, #tpu.memory_space<hbm>>
      %dma_wait3A_40 = arith.constant 0 : i32
      %dma_wait3A_41 = tpu.memref_slice %arg10[%mul3A_31, %dma_wait3A_40] : memref<10240x128xf32, #tpu.memory_space<vmem_shared>> -> memref<640x128xf32, #tpu.memory_space<vmem_shared>>
      tpu.wait_dma2 semaphore(%run_scoped3A : memref<!tpu.dma_semaphore, #tpu.memory_space<semaphore_mem>>) src(%dma_wait3A_41 : memref<640x128xf32, #tpu.memory_space<vmem_shared>>) dst(%dma_wait3A_39 : memref<640x128xf32, #tpu.memory_space<hbm>>)
      tpu.yield
    }) : () -> ()
    return
  }
}

#map = affine_map<(d0, d1) -> (0, 0)>
#map1 = affine_map<(d0, d1) -> (0, 0, 0)>
module attributes {stable_mosaic.version = 14 : i64} {
  func.func @_sc_counts_body(%arg0: i32, %arg1: i32, %arg2: memref<1280x128xi32, #tpu.memory_space<hbm>>, %arg3: memref<128x128xf32, #tpu.memory_space<hbm>>, %arg4: memref<128x128xf32, #tpu.memory_space<hbm>>, %arg5: memref<2x10240x128xf32, #tpu.memory_space<hbm>>, %arg6: memref<40x128xi32, #tpu.memory_space<vmem>>, %arg7: memref<128x128xf32, #tpu.memory_space<vmem>>, %arg8: memref<10240x128xf32, #tpu.memory_space<vmem_shared>>) attributes {dimension_semantics = [#tpu.dimension_semantics<core_parallel>, #tpu.dimension_semantics<subcore_parallel>], iteration_bounds = array<i64: 2, 16>, scalar_prefetch = 0 : i64, scratch_operands = 3 : i64, tpu.core_type = #tpu.core_type<sc_vector_subcore>, window_params = [{transform_indices = #map}, {transform_indices = #map}, {transform_indices = #map}, {transform_indices = #map1}]} {
    %mul3A = arith.constant 2 : i32
    %mul3A_0 = arith.muli %arg1, %mul3A : i32
    %add3A = arith.addi %mul3A_0, %arg0 : i32
    "tpu.region"() ({
      %run_scoped3A = tpu.sem_alloc : memref<!tpu.dma_semaphore, #tpu.memory_space<semaphore_mem>>
      tpu.enqueue_dma source(%arg3 : memref<128x128xf32, #tpu.memory_space<hbm>>) target(%arg7 : memref<128x128xf32, #tpu.memory_space<vmem>>) target_semaphore(%run_scoped3A : memref<!tpu.dma_semaphore, #tpu.memory_space<semaphore_mem>>)
      tpu.wait_dma2 semaphore(%run_scoped3A : memref<!tpu.dma_semaphore, #tpu.memory_space<semaphore_mem>>) src(%arg3 : memref<128x128xf32, #tpu.memory_space<hbm>>) dst(%arg7 : memref<128x128xf32, #tpu.memory_space<vmem>>)
      tpu.yield
    }) : () -> ()
    %mul3A_1 = arith.constant 640 : i32
    %mul3A_2 = arith.muli %arg1, %mul3A_1 : i32
    %add3A_3 = arith.constant 0 : i32
    %add3A_4 = arith.addi %mul3A_2, %add3A_3 : i32
    "tpu.region"() ({
      %run_scoped3A = tpu.sem_alloc : memref<!tpu.dma_semaphore, #tpu.memory_space<semaphore_mem>>
      %dma_start3A = arith.constant 0 : i32
      %dma_start3A_33 = tpu.memref_slice %arg8[%add3A_4, %dma_start3A] : memref<10240x128xf32, #tpu.memory_space<vmem_shared>> -> memref<128x128xf32, #tpu.memory_space<vmem_shared>>
      tpu.enqueue_dma source(%arg4 : memref<128x128xf32, #tpu.memory_space<hbm>>) target(%dma_start3A_33 : memref<128x128xf32, #tpu.memory_space<vmem_shared>>) target_semaphore(%run_scoped3A : memref<!tpu.dma_semaphore, #tpu.memory_space<semaphore_mem>>)
      %dma_wait3A = arith.constant 0 : i32
      %dma_wait3A_34 = tpu.memref_slice %arg8[%add3A_4, %dma_wait3A] : memref<10240x128xf32, #tpu.memory_space<vmem_shared>> -> memref<128x128xf32, #tpu.memory_space<vmem_shared>>
      tpu.wait_dma2 semaphore(%run_scoped3A : memref<!tpu.dma_semaphore, #tpu.memory_space<semaphore_mem>>) src(%arg4 : memref<128x128xf32, #tpu.memory_space<hbm>>) dst(%dma_wait3A_34 : memref<128x128xf32, #tpu.memory_space<vmem_shared>>)
      tpu.yield
    }) : () -> ()
    %mul3A_5 = arith.constant 640 : i32
    %mul3A_6 = arith.muli %arg1, %mul3A_5 : i32
    %add3A_7 = arith.constant 128 : i32
    %add3A_8 = arith.addi %mul3A_6, %add3A_7 : i32
    "tpu.region"() ({
      %run_scoped3A = tpu.sem_alloc : memref<!tpu.dma_semaphore, #tpu.memory_space<semaphore_mem>>
      %dma_start3A = arith.constant 0 : i32
      %dma_start3A_33 = tpu.memref_slice %arg8[%add3A_8, %dma_start3A] : memref<10240x128xf32, #tpu.memory_space<vmem_shared>> -> memref<128x128xf32, #tpu.memory_space<vmem_shared>>
      tpu.enqueue_dma source(%arg4 : memref<128x128xf32, #tpu.memory_space<hbm>>) target(%dma_start3A_33 : memref<128x128xf32, #tpu.memory_space<vmem_shared>>) target_semaphore(%run_scoped3A : memref<!tpu.dma_semaphore, #tpu.memory_space<semaphore_mem>>)
      %dma_wait3A = arith.constant 0 : i32
      %dma_wait3A_34 = tpu.memref_slice %arg8[%add3A_8, %dma_wait3A] : memref<10240x128xf32, #tpu.memory_space<vmem_shared>> -> memref<128x128xf32, #tpu.memory_space<vmem_shared>>
      tpu.wait_dma2 semaphore(%run_scoped3A : memref<!tpu.dma_semaphore, #tpu.memory_space<semaphore_mem>>) src(%arg4 : memref<128x128xf32, #tpu.memory_space<hbm>>) dst(%dma_wait3A_34 : memref<128x128xf32, #tpu.memory_space<vmem_shared>>)
      tpu.yield
    }) : () -> ()
    %mul3A_9 = arith.constant 640 : i32
    %mul3A_10 = arith.muli %arg1, %mul3A_9 : i32
    %add3A_11 = arith.constant 256 : i32
    %add3A_12 = arith.addi %mul3A_10, %add3A_11 : i32
    "tpu.region"() ({
      %run_scoped3A = tpu.sem_alloc : memref<!tpu.dma_semaphore, #tpu.memory_space<semaphore_mem>>
      %dma_start3A = arith.constant 0 : i32
      %dma_start3A_33 = tpu.memref_slice %arg8[%add3A_12, %dma_start3A] : memref<10240x128xf32, #tpu.memory_space<vmem_shared>> -> memref<128x128xf32, #tpu.memory_space<vmem_shared>>
      tpu.enqueue_dma source(%arg4 : memref<128x128xf32, #tpu.memory_space<hbm>>) target(%dma_start3A_33 : memref<128x128xf32, #tpu.memory_space<vmem_shared>>) target_semaphore(%run_scoped3A : memref<!tpu.dma_semaphore, #tpu.memory_space<semaphore_mem>>)
      %dma_wait3A = arith.constant 0 : i32
      %dma_wait3A_34 = tpu.memref_slice %arg8[%add3A_12, %dma_wait3A] : memref<10240x128xf32, #tpu.memory_space<vmem_shared>> -> memref<128x128xf32, #tpu.memory_space<vmem_shared>>
      tpu.wait_dma2 semaphore(%run_scoped3A : memref<!tpu.dma_semaphore, #tpu.memory_space<semaphore_mem>>) src(%arg4 : memref<128x128xf32, #tpu.memory_space<hbm>>) dst(%dma_wait3A_34 : memref<128x128xf32, #tpu.memory_space<vmem_shared>>)
      tpu.yield
    }) : () -> ()
    %mul3A_13 = arith.constant 640 : i32
    %mul3A_14 = arith.muli %arg1, %mul3A_13 : i32
    %add3A_15 = arith.constant 384 : i32
    %add3A_16 = arith.addi %mul3A_14, %add3A_15 : i32
    "tpu.region"() ({
      %run_scoped3A = tpu.sem_alloc : memref<!tpu.dma_semaphore, #tpu.memory_space<semaphore_mem>>
      %dma_start3A = arith.constant 0 : i32
      %dma_start3A_33 = tpu.memref_slice %arg8[%add3A_16, %dma_start3A] : memref<10240x128xf32, #tpu.memory_space<vmem_shared>> -> memref<128x128xf32, #tpu.memory_space<vmem_shared>>
      tpu.enqueue_dma source(%arg4 : memref<128x128xf32, #tpu.memory_space<hbm>>) target(%dma_start3A_33 : memref<128x128xf32, #tpu.memory_space<vmem_shared>>) target_semaphore(%run_scoped3A : memref<!tpu.dma_semaphore, #tpu.memory_space<semaphore_mem>>)
      %dma_wait3A = arith.constant 0 : i32
      %dma_wait3A_34 = tpu.memref_slice %arg8[%add3A_16, %dma_wait3A] : memref<10240x128xf32, #tpu.memory_space<vmem_shared>> -> memref<128x128xf32, #tpu.memory_space<vmem_shared>>
      tpu.wait_dma2 semaphore(%run_scoped3A : memref<!tpu.dma_semaphore, #tpu.memory_space<semaphore_mem>>) src(%arg4 : memref<128x128xf32, #tpu.memory_space<hbm>>) dst(%dma_wait3A_34 : memref<128x128xf32, #tpu.memory_space<vmem_shared>>)
      tpu.yield
    }) : () -> ()
    %mul3A_17 = arith.constant 640 : i32
    %mul3A_18 = arith.muli %arg1, %mul3A_17 : i32
    %add3A_19 = arith.constant 512 : i32
    %add3A_20 = arith.addi %mul3A_18, %add3A_19 : i32
    "tpu.region"() ({
      %run_scoped3A = tpu.sem_alloc : memref<!tpu.dma_semaphore, #tpu.memory_space<semaphore_mem>>
      %dma_start3A = arith.constant 0 : i32
      %dma_start3A_33 = tpu.memref_slice %arg8[%add3A_20, %dma_start3A] : memref<10240x128xf32, #tpu.memory_space<vmem_shared>> -> memref<128x128xf32, #tpu.memory_space<vmem_shared>>
      tpu.enqueue_dma source(%arg4 : memref<128x128xf32, #tpu.memory_space<hbm>>) target(%dma_start3A_33 : memref<128x128xf32, #tpu.memory_space<vmem_shared>>) target_semaphore(%run_scoped3A : memref<!tpu.dma_semaphore, #tpu.memory_space<semaphore_mem>>)
      %dma_wait3A = arith.constant 0 : i32
      %dma_wait3A_34 = tpu.memref_slice %arg8[%add3A_20, %dma_wait3A] : memref<10240x128xf32, #tpu.memory_space<vmem_shared>> -> memref<128x128xf32, #tpu.memory_space<vmem_shared>>
      tpu.wait_dma2 semaphore(%run_scoped3A : memref<!tpu.dma_semaphore, #tpu.memory_space<semaphore_mem>>) src(%arg4 : memref<128x128xf32, #tpu.memory_space<hbm>>) dst(%dma_wait3A_34 : memref<128x128xf32, #tpu.memory_space<vmem_shared>>)
      tpu.yield
    }) : () -> ()
    %mul3A_21 = arith.constant 40 : i32
    %mul3A_22 = arith.muli %add3A, %mul3A_21 : i32
    "tpu.region"() ({
      %run_scoped3A = tpu.sem_alloc : memref<!tpu.dma_semaphore, #tpu.memory_space<semaphore_mem>>
      %dma_start3A = arith.constant 0 : i32
      %dma_start3A_33 = tpu.memref_slice %arg2[%mul3A_22, %dma_start3A] : memref<1280x128xi32, #tpu.memory_space<hbm>> -> memref<40x128xi32, #tpu.memory_space<hbm>>
      %dma_start3A_34 = arith.constant 0 : i32
      %dma_start3A_35 = tpu.memref_slice %arg2[%mul3A_22, %dma_start3A_34] : memref<1280x128xi32, #tpu.memory_space<hbm>> -> memref<40x128xi32, #tpu.memory_space<hbm>>
      tpu.enqueue_dma source(%dma_start3A_35 : memref<40x128xi32, #tpu.memory_space<hbm>>) target(%arg6 : memref<40x128xi32, #tpu.memory_space<vmem>>) target_semaphore(%run_scoped3A : memref<!tpu.dma_semaphore, #tpu.memory_space<semaphore_mem>>)
      %dma_wait3A = arith.constant 0 : i32
      %dma_wait3A_36 = tpu.memref_slice %arg2[%mul3A_22, %dma_wait3A] : memref<1280x128xi32, #tpu.memory_space<hbm>> -> memref<40x128xi32, #tpu.memory_space<hbm>>
      %dma_wait3A_37 = arith.constant 0 : i32
      %dma_wait3A_38 = tpu.memref_slice %arg2[%mul3A_22, %dma_wait3A_37] : memref<1280x128xi32, #tpu.memory_space<hbm>> -> memref<40x128xi32, #tpu.memory_space<hbm>>
      tpu.wait_dma2 semaphore(%run_scoped3A : memref<!tpu.dma_semaphore, #tpu.memory_space<semaphore_mem>>) src(%dma_wait3A_38 : memref<40x128xi32, #tpu.memory_space<hbm>>) dst(%arg6 : memref<40x128xi32, #tpu.memory_space<vmem>>)
      tpu.yield
    }) : () -> ()
    %barrier3A = arith.constant 0 : index
    tpu.barrier barrier_id(%barrier3A)
    %scan3A = arith.constant 0 : i32
    %scan3A_23 = arith.constant 0 : i32
    %scan3A_24 = arith.constant 40 : i32
    %scan3A_25 = arith.addi %scan3A_23, %scan3A_24 : i32
    %scan3A_26 = arith.constant 1 : i32
    scf.for %scan3A_33 = %scan3A_23 to %scan3A_25 step %scan3A_26  : i32 {
      "tpu.region"() ({
        %run_scoped3A = tpu.sem_alloc : memref<!tpu.dma_semaphore, #tpu.memory_space<semaphore_mem>>
        %dma_start3A = arith.constant 0 : i32
        %dma_start3A_34 = tpu.memref_slice %arg6[%scan3A_33, %dma_start3A] : memref<40x128xi32, #tpu.memory_space<vmem>> -> memref<1x128xi32, #tpu.memory_space<vmem>>
        %dma_start3A_35 = tpu.memref_squeeze %dma_start3A_34 : memref<1x128xi32, #tpu.memory_space<vmem>> -> memref<128xi32, #tpu.memory_space<vmem>>
        %dma_start3A_36 = arith.constant 0 : i32
        %dma_start3A_37 = arith.constant 0 : i32
        %dma_start3A_38 = tpu.memref_slice %arg8[%dma_start3A_36, %dma_start3A_37] : memref<10240x128xf32, #tpu.memory_space<vmem_shared>> -> memref<10240x128xf32, #tpu.memory_space<vmem_shared>>
        tpu.enqueue_indirect_dma source(%arg7 : memref<128x128xf32, #tpu.memory_space<vmem>>) target(%dma_start3A_38 : memref<10240x128xf32, #tpu.memory_space<vmem_shared>>) offsets(%dma_start3A_35 : memref<128xi32, #tpu.memory_space<vmem>>) semaphore(%run_scoped3A : memref<!tpu.dma_semaphore, #tpu.memory_space<semaphore_mem>>) {add = true}
        %dma_wait3A = arith.constant 0 : i32
        %dma_wait3A_39 = tpu.memref_slice %arg6[%scan3A_33, %dma_wait3A] : memref<40x128xi32, #tpu.memory_space<vmem>> -> memref<1x128xi32, #tpu.memory_space<vmem>>
        %dma_wait3A_40 = tpu.memref_squeeze %dma_wait3A_39 : memref<1x128xi32, #tpu.memory_space<vmem>> -> memref<128xi32, #tpu.memory_space<vmem>>
        %dma_wait3A_41 = arith.constant 0 : i32
        %dma_wait3A_42 = arith.constant 0 : i32
        %dma_wait3A_43 = tpu.memref_slice %arg8[%dma_wait3A_41, %dma_wait3A_42] : memref<10240x128xf32, #tpu.memory_space<vmem_shared>> -> memref<10240x128xf32, #tpu.memory_space<vmem_shared>>
        tpu.wait_indirect_dma semaphore(%run_scoped3A : memref<!tpu.dma_semaphore, #tpu.memory_space<semaphore_mem>>) src(%arg7 : memref<128x128xf32, #tpu.memory_space<vmem>>) dst(%dma_wait3A_43 : memref<10240x128xf32, #tpu.memory_space<vmem_shared>>)
        tpu.yield
      }) : () -> ()
    }
    %scan3A_27 = arith.constant 40 : i32
    %barrier3A_28 = arith.constant 0 : index
    tpu.barrier barrier_id(%barrier3A_28)
    %mul3A_29 = arith.constant 640 : i32
    %mul3A_30 = arith.muli %arg1, %mul3A_29 : i32
    %mul3A_31 = arith.constant 640 : i32
    %mul3A_32 = arith.muli %arg1, %mul3A_31 : i32
    "tpu.region"() ({
      %run_scoped3A = tpu.sem_alloc : memref<!tpu.dma_semaphore, #tpu.memory_space<semaphore_mem>>
      %dma_start3A = arith.constant 0 : i32
      %dma_start3A_33 = tpu.memref_slice %arg5[%arg0, %mul3A_32, %dma_start3A] : memref<2x10240x128xf32, #tpu.memory_space<hbm>> -> memref<1x640x128xf32, #tpu.memory_space<hbm>>
      %dma_start3A_34 = tpu.memref_squeeze %dma_start3A_33 : memref<1x640x128xf32, #tpu.memory_space<hbm>> -> memref<640x128xf32, #tpu.memory_space<hbm>>
      %dma_start3A_35 = arith.constant 0 : i32
      %dma_start3A_36 = tpu.memref_slice %arg8[%mul3A_30, %dma_start3A_35] : memref<10240x128xf32, #tpu.memory_space<vmem_shared>> -> memref<640x128xf32, #tpu.memory_space<vmem_shared>>
      tpu.enqueue_dma source(%dma_start3A_36 : memref<640x128xf32, #tpu.memory_space<vmem_shared>>) target(%dma_start3A_34 : memref<640x128xf32, #tpu.memory_space<hbm>>) target_semaphore(%run_scoped3A : memref<!tpu.dma_semaphore, #tpu.memory_space<semaphore_mem>>)
      %dma_wait3A = arith.constant 0 : i32
      %dma_wait3A_37 = tpu.memref_slice %arg5[%arg0, %mul3A_32, %dma_wait3A] : memref<2x10240x128xf32, #tpu.memory_space<hbm>> -> memref<1x640x128xf32, #tpu.memory_space<hbm>>
      %dma_wait3A_38 = tpu.memref_squeeze %dma_wait3A_37 : memref<1x640x128xf32, #tpu.memory_space<hbm>> -> memref<640x128xf32, #tpu.memory_space<hbm>>
      %dma_wait3A_39 = arith.constant 0 : i32
      %dma_wait3A_40 = tpu.memref_slice %arg8[%mul3A_30, %dma_wait3A_39] : memref<10240x128xf32, #tpu.memory_space<vmem_shared>> -> memref<640x128xf32, #tpu.memory_space<vmem_shared>>
      tpu.wait_dma2 semaphore(%run_scoped3A : memref<!tpu.dma_semaphore, #tpu.memory_space<semaphore_mem>>) src(%dma_wait3A_40 : memref<640x128xf32, #tpu.memory_space<vmem_shared>>) dst(%dma_wait3A_38 : memref<640x128xf32, #tpu.memory_space<hbm>>)
      tpu.yield
    }) : () -> ()
    return
  }
}

#map = affine_map<(d0, d1) -> (0, 0)>
#map1 = affine_map<(d0, d1) -> (0, 0, 0)>
module attributes {stable_mosaic.version = 14 : i64} {
  func.func @body(%arg0: i32, %arg1: i32, %arg2: memref<40960x128xf32, #tpu.memory_space<hbm>>, %arg3: memref<4x1280x128xi32, #tpu.memory_space<hbm>>, %arg4: memref<1280x128xi32, #tpu.memory_space<hbm>>, %arg5: memref<128x128xf32, #tpu.memory_space<hbm>>, %arg6: memref<4x10240x128xf32, #tpu.memory_space<hbm>>, %arg7: memref<80x128xi32, #tpu.memory_space<vmem>>, %arg8: memref<80x128xi32, #tpu.memory_space<vmem>>, %arg9: memref<128x128xf32, #tpu.memory_space<vmem>>, %arg10: memref<10240x128xf32, #tpu.memory_space<vmem_shared>>) attributes {dimension_semantics = [#tpu.dimension_semantics<core_parallel>, #tpu.dimension_semantics<subcore_parallel>], iteration_bounds = array<i64: 2, 16>, scalar_prefetch = 0 : i64, scratch_operands = 4 : i64, tpu.core_type = #tpu.core_type<sc_vector_subcore>, window_params = [{transform_indices = #map}, {transform_indices = #map1}, {transform_indices = #map}, {transform_indices = #map}, {transform_indices = #map1}]} {
    %mul3A = arith.constant 80 : i32
    %mul3A_0 = arith.muli %arg1, %mul3A : i32
    "tpu.region"() ({
      %run_scoped3A = tpu.sem_alloc : memref<!tpu.dma_semaphore, #tpu.memory_space<semaphore_mem>>
      %dma_start3A = arith.constant 0 : i32
      %dma_start3A_70 = tpu.memref_slice %arg4[%mul3A_0, %dma_start3A] : memref<1280x128xi32, #tpu.memory_space<hbm>> -> memref<80x128xi32, #tpu.memory_space<hbm>>
      %dma_start3A_71 = arith.constant 0 : i32
      %dma_start3A_72 = tpu.memref_slice %arg4[%mul3A_0, %dma_start3A_71] : memref<1280x128xi32, #tpu.memory_space<hbm>> -> memref<80x128xi32, #tpu.memory_space<hbm>>
      tpu.enqueue_dma source(%dma_start3A_72 : memref<80x128xi32, #tpu.memory_space<hbm>>) target(%arg8 : memref<80x128xi32, #tpu.memory_space<vmem>>) target_semaphore(%run_scoped3A : memref<!tpu.dma_semaphore, #tpu.memory_space<semaphore_mem>>)
      %dma_wait3A = arith.constant 0 : i32
      %dma_wait3A_73 = tpu.memref_slice %arg4[%mul3A_0, %dma_wait3A] : memref<1280x128xi32, #tpu.memory_space<hbm>> -> memref<80x128xi32, #tpu.memory_space<hbm>>
      %dma_wait3A_74 = arith.constant 0 : i32
      %dma_wait3A_75 = tpu.memref_slice %arg4[%mul3A_0, %dma_wait3A_74] : memref<1280x128xi32, #tpu.memory_space<hbm>> -> memref<80x128xi32, #tpu.memory_space<hbm>>
      tpu.wait_dma2 semaphore(%run_scoped3A : memref<!tpu.dma_semaphore, #tpu.memory_space<semaphore_mem>>) src(%dma_wait3A_75 : memref<80x128xi32, #tpu.memory_space<hbm>>) dst(%arg8 : memref<80x128xi32, #tpu.memory_space<vmem>>)
      tpu.yield
    }) : () -> ()
    %add3A = arith.constant 0 : i32
    %add3A_1 = arith.addi %add3A, %arg0 : i32
    %mul3A_2 = arith.constant 80 : i32
    %mul3A_3 = arith.muli %arg1, %mul3A_2 : i32
    "tpu.region"() ({
      %run_scoped3A = tpu.sem_alloc : memref<!tpu.dma_semaphore, #tpu.memory_space<semaphore_mem>>
      %dma_start3A = arith.constant 0 : i32
      %dma_start3A_70 = tpu.memref_slice %arg3[%add3A_1, %mul3A_3, %dma_start3A] : memref<4x1280x128xi32, #tpu.memory_space<hbm>> -> memref<1x80x128xi32, #tpu.memory_space<hbm>>
      %dma_start3A_71 = tpu.memref_squeeze %dma_start3A_70 : memref<1x80x128xi32, #tpu.memory_space<hbm>> -> memref<80x128xi32, #tpu.memory_space<hbm>>
      %dma_start3A_72 = arith.constant 0 : i32
      %dma_start3A_73 = tpu.memref_slice %arg3[%add3A_1, %mul3A_3, %dma_start3A_72] : memref<4x1280x128xi32, #tpu.memory_space<hbm>> -> memref<1x80x128xi32, #tpu.memory_space<hbm>>
      %dma_start3A_74 = tpu.memref_squeeze %dma_start3A_73 : memref<1x80x128xi32, #tpu.memory_space<hbm>> -> memref<80x128xi32, #tpu.memory_space<hbm>>
      tpu.enqueue_dma source(%dma_start3A_74 : memref<80x128xi32, #tpu.memory_space<hbm>>) target(%arg7 : memref<80x128xi32, #tpu.memory_space<vmem>>) target_semaphore(%run_scoped3A : memref<!tpu.dma_semaphore, #tpu.memory_space<semaphore_mem>>)
      %dma_wait3A = arith.constant 0 : i32
      %dma_wait3A_75 = tpu.memref_slice %arg3[%add3A_1, %mul3A_3, %dma_wait3A] : memref<4x1280x128xi32, #tpu.memory_space<hbm>> -> memref<1x80x128xi32, #tpu.memory_space<hbm>>
      %dma_wait3A_76 = tpu.memref_squeeze %dma_wait3A_75 : memref<1x80x128xi32, #tpu.memory_space<hbm>> -> memref<80x128xi32, #tpu.memory_space<hbm>>
      %dma_wait3A_77 = arith.constant 0 : i32
      %dma_wait3A_78 = tpu.memref_slice %arg3[%add3A_1, %mul3A_3, %dma_wait3A_77] : memref<4x1280x128xi32, #tpu.memory_space<hbm>> -> memref<1x80x128xi32, #tpu.memory_space<hbm>>
      %dma_wait3A_79 = tpu.memref_squeeze %dma_wait3A_78 : memref<1x80x128xi32, #tpu.memory_space<hbm>> -> memref<80x128xi32, #tpu.memory_space<hbm>>
      tpu.wait_dma2 semaphore(%run_scoped3A : memref<!tpu.dma_semaphore, #tpu.memory_space<semaphore_mem>>) src(%dma_wait3A_79 : memref<80x128xi32, #tpu.memory_space<hbm>>) dst(%arg7 : memref<80x128xi32, #tpu.memory_space<vmem>>)
      tpu.yield
    }) : () -> ()
    %mul3A_4 = arith.constant 640 : i32
    %mul3A_5 = arith.muli %arg1, %mul3A_4 : i32
    %add3A_6 = arith.constant 0 : i32
    %add3A_7 = arith.addi %mul3A_5, %add3A_6 : i32
    "tpu.region"() ({
      %run_scoped3A = tpu.sem_alloc : memref<!tpu.dma_semaphore, #tpu.memory_space<semaphore_mem>>
      %dma_start3A = arith.constant 0 : i32
      %dma_start3A_70 = tpu.memref_slice %arg10[%add3A_7, %dma_start3A] : memref<10240x128xf32, #tpu.memory_space<vmem_shared>> -> memref<128x128xf32, #tpu.memory_space<vmem_shared>>
      tpu.enqueue_dma source(%arg5 : memref<128x128xf32, #tpu.memory_space<hbm>>) target(%dma_start3A_70 : memref<128x128xf32, #tpu.memory_space<vmem_shared>>) target_semaphore(%run_scoped3A : memref<!tpu.dma_semaphore, #tpu.memory_space<semaphore_mem>>)
      %dma_wait3A = arith.constant 0 : i32
      %dma_wait3A_71 = tpu.memref_slice %arg10[%add3A_7, %dma_wait3A] : memref<10240x128xf32, #tpu.memory_space<vmem_shared>> -> memref<128x128xf32, #tpu.memory_space<vmem_shared>>
      tpu.wait_dma2 semaphore(%run_scoped3A : memref<!tpu.dma_semaphore, #tpu.memory_space<semaphore_mem>>) src(%arg5 : memref<128x128xf32, #tpu.memory_space<hbm>>) dst(%dma_wait3A_71 : memref<128x128xf32, #tpu.memory_space<vmem_shared>>)
      tpu.yield
    }) : () -> ()
    %mul3A_8 = arith.constant 640 : i32
    %mul3A_9 = arith.muli %arg1, %mul3A_8 : i32
    %add3A_10 = arith.constant 128 : i32
    %add3A_11 = arith.addi %mul3A_9, %add3A_10 : i32
    "tpu.region"() ({
      %run_scoped3A = tpu.sem_alloc : memref<!tpu.dma_semaphore, #tpu.memory_space<semaphore_mem>>
      %dma_start3A = arith.constant 0 : i32
      %dma_start3A_70 = tpu.memref_slice %arg10[%add3A_11, %dma_start3A] : memref<10240x128xf32, #tpu.memory_space<vmem_shared>> -> memref<128x128xf32, #tpu.memory_space<vmem_shared>>
      tpu.enqueue_dma source(%arg5 : memref<128x128xf32, #tpu.memory_space<hbm>>) target(%dma_start3A_70 : memref<128x128xf32, #tpu.memory_space<vmem_shared>>) target_semaphore(%run_scoped3A : memref<!tpu.dma_semaphore, #tpu.memory_space<semaphore_mem>>)
      %dma_wait3A = arith.constant 0 : i32
      %dma_wait3A_71 = tpu.memref_slice %arg10[%add3A_11, %dma_wait3A] : memref<10240x128xf32, #tpu.memory_space<vmem_shared>> -> memref<128x128xf32, #tpu.memory_space<vmem_shared>>
      tpu.wait_dma2 semaphore(%run_scoped3A : memref<!tpu.dma_semaphore, #tpu.memory_space<semaphore_mem>>) src(%arg5 : memref<128x128xf32, #tpu.memory_space<hbm>>) dst(%dma_wait3A_71 : memref<128x128xf32, #tpu.memory_space<vmem_shared>>)
      tpu.yield
    }) : () -> ()
    %mul3A_12 = arith.constant 640 : i32
    %mul3A_13 = arith.muli %arg1, %mul3A_12 : i32
    %add3A_14 = arith.constant 256 : i32
    %add3A_15 = arith.addi %mul3A_13, %add3A_14 : i32
    "tpu.region"() ({
      %run_scoped3A = tpu.sem_alloc : memref<!tpu.dma_semaphore, #tpu.memory_space<semaphore_mem>>
      %dma_start3A = arith.constant 0 : i32
      %dma_start3A_70 = tpu.memref_slice %arg10[%add3A_15, %dma_start3A] : memref<10240x128xf32, #tpu.memory_space<vmem_shared>> -> memref<128x128xf32, #tpu.memory_space<vmem_shared>>
      tpu.enqueue_dma source(%arg5 : memref<128x128xf32, #tpu.memory_space<hbm>>) target(%dma_start3A_70 : memref<128x128xf32, #tpu.memory_space<vmem_shared>>) target_semaphore(%run_scoped3A : memref<!tpu.dma_semaphore, #tpu.memory_space<semaphore_mem>>)
      %dma_wait3A = arith.constant 0 : i32
      %dma_wait3A_71 = tpu.memref_slice %arg10[%add3A_15, %dma_wait3A] : memref<10240x128xf32, #tpu.memory_space<vmem_shared>> -> memref<128x128xf32, #tpu.memory_space<vmem_shared>>
      tpu.wait_dma2 semaphore(%run_scoped3A : memref<!tpu.dma_semaphore, #tpu.memory_space<semaphore_mem>>) src(%arg5 : memref<128x128xf32, #tpu.memory_space<hbm>>) dst(%dma_wait3A_71 : memref<128x128xf32, #tpu.memory_space<vmem_shared>>)
      tpu.yield
    }) : () -> ()
    %mul3A_16 = arith.constant 640 : i32
    %mul3A_17 = arith.muli %arg1, %mul3A_16 : i32
    %add3A_18 = arith.constant 384 : i32
    %add3A_19 = arith.addi %mul3A_17, %add3A_18 : i32
    "tpu.region"() ({
      %run_scoped3A = tpu.sem_alloc : memref<!tpu.dma_semaphore, #tpu.memory_space<semaphore_mem>>
      %dma_start3A = arith.constant 0 : i32
      %dma_start3A_70 = tpu.memref_slice %arg10[%add3A_19, %dma_start3A] : memref<10240x128xf32, #tpu.memory_space<vmem_shared>> -> memref<128x128xf32, #tpu.memory_space<vmem_shared>>
      tpu.enqueue_dma source(%arg5 : memref<128x128xf32, #tpu.memory_space<hbm>>) target(%dma_start3A_70 : memref<128x128xf32, #tpu.memory_space<vmem_shared>>) target_semaphore(%run_scoped3A : memref<!tpu.dma_semaphore, #tpu.memory_space<semaphore_mem>>)
      %dma_wait3A = arith.constant 0 : i32
      %dma_wait3A_71 = tpu.memref_slice %arg10[%add3A_19, %dma_wait3A] : memref<10240x128xf32, #tpu.memory_space<vmem_shared>> -> memref<128x128xf32, #tpu.memory_space<vmem_shared>>
      tpu.wait_dma2 semaphore(%run_scoped3A : memref<!tpu.dma_semaphore, #tpu.memory_space<semaphore_mem>>) src(%arg5 : memref<128x128xf32, #tpu.memory_space<hbm>>) dst(%dma_wait3A_71 : memref<128x128xf32, #tpu.memory_space<vmem_shared>>)
      tpu.yield
    }) : () -> ()
    %mul3A_20 = arith.constant 640 : i32
    %mul3A_21 = arith.muli %arg1, %mul3A_20 : i32
    %add3A_22 = arith.constant 512 : i32
    %add3A_23 = arith.addi %mul3A_21, %add3A_22 : i32
    "tpu.region"() ({
      %run_scoped3A = tpu.sem_alloc : memref<!tpu.dma_semaphore, #tpu.memory_space<semaphore_mem>>
      %dma_start3A = arith.constant 0 : i32
      %dma_start3A_70 = tpu.memref_slice %arg10[%add3A_23, %dma_start3A] : memref<10240x128xf32, #tpu.memory_space<vmem_shared>> -> memref<128x128xf32, #tpu.memory_space<vmem_shared>>
      tpu.enqueue_dma source(%arg5 : memref<128x128xf32, #tpu.memory_space<hbm>>) target(%dma_start3A_70 : memref<128x128xf32, #tpu.memory_space<vmem_shared>>) target_semaphore(%run_scoped3A : memref<!tpu.dma_semaphore, #tpu.memory_space<semaphore_mem>>)
      %dma_wait3A = arith.constant 0 : i32
      %dma_wait3A_71 = tpu.memref_slice %arg10[%add3A_23, %dma_wait3A] : memref<10240x128xf32, #tpu.memory_space<vmem_shared>> -> memref<128x128xf32, #tpu.memory_space<vmem_shared>>
      tpu.wait_dma2 semaphore(%run_scoped3A : memref<!tpu.dma_semaphore, #tpu.memory_space<semaphore_mem>>) src(%arg5 : memref<128x128xf32, #tpu.memory_space<hbm>>) dst(%dma_wait3A_71 : memref<128x128xf32, #tpu.memory_space<vmem_shared>>)
      tpu.yield
    }) : () -> ()
    %barrier3A = arith.constant 0 : index
    tpu.barrier barrier_id(%barrier3A)
    %scan3A = arith.constant 0 : i32
    %scan3A_24 = arith.constant 0 : i32
    %scan3A_25 = arith.constant 80 : i32
    %scan3A_26 = arith.addi %scan3A_24, %scan3A_25 : i32
    %scan3A_27 = arith.constant 1 : i32
    scf.for %scan3A_70 = %scan3A_24 to %scan3A_26 step %scan3A_27  : i32 {
      "tpu.region"() ({
        %run_scoped3A = tpu.sem_alloc : memref<!tpu.dma_semaphore, #tpu.memory_space<semaphore_mem>>
        %dma_start3A = arith.constant 0 : i32
        %dma_start3A_71 = tpu.memref_slice %arg7[%scan3A_70, %dma_start3A] : memref<80x128xi32, #tpu.memory_space<vmem>> -> memref<1x128xi32, #tpu.memory_space<vmem>>
        %dma_start3A_72 = tpu.memref_squeeze %dma_start3A_71 : memref<1x128xi32, #tpu.memory_space<vmem>> -> memref<128xi32, #tpu.memory_space<vmem>>
        %dma_start3A_73 = arith.constant 0 : i32
        %dma_start3A_74 = arith.constant 0 : i32
        %dma_start3A_75 = tpu.memref_slice %arg2[%dma_start3A_73, %dma_start3A_74] : memref<40960x128xf32, #tpu.memory_space<hbm>> -> memref<40960x128xf32, #tpu.memory_space<hbm>>
        tpu.enqueue_indirect_dma source(%dma_start3A_75 : memref<40960x128xf32, #tpu.memory_space<hbm>>) target(%arg9 : memref<128x128xf32, #tpu.memory_space<vmem>>) offsets(%dma_start3A_72 : memref<128xi32, #tpu.memory_space<vmem>>) semaphore(%run_scoped3A : memref<!tpu.dma_semaphore, #tpu.memory_space<semaphore_mem>>)
        %dma_wait3A = arith.constant 0 : i32
        %dma_wait3A_76 = tpu.memref_slice %arg7[%scan3A_70, %dma_wait3A] : memref<80x128xi32, #tpu.memory_space<vmem>> -> memref<1x128xi32, #tpu.memory_space<vmem>>
        %dma_wait3A_77 = tpu.memref_squeeze %dma_wait3A_76 : memref<1x128xi32, #tpu.memory_space<vmem>> -> memref<128xi32, #tpu.memory_space<vmem>>
        %dma_wait3A_78 = arith.constant 0 : i32
        %dma_wait3A_79 = arith.constant 0 : i32
        %dma_wait3A_80 = tpu.memref_slice %arg2[%dma_wait3A_78, %dma_wait3A_79] : memref<40960x128xf32, #tpu.memory_space<hbm>> -> memref<40960x128xf32, #tpu.memory_space<hbm>>
        tpu.wait_indirect_dma semaphore(%run_scoped3A : memref<!tpu.dma_semaphore, #tpu.memory_space<semaphore_mem>>) src(%dma_wait3A_80 : memref<40960x128xf32, #tpu.memory_space<hbm>>) dst(%arg9 : memref<128x128xf32, #tpu.memory_space<vmem>>)
        tpu.yield
      }) : () -> ()
      "tpu.region"() ({
        %run_scoped3A = tpu.sem_alloc : memref<!tpu.dma_semaphore, #tpu.memory_space<semaphore_mem>>
        %dma_start3A = arith.constant 0 : i32
        %dma_start3A_71 = tpu.memref_slice %arg8[%scan3A_70, %dma_start3A] : memref<80x128xi32, #tpu.memory_space<vmem>> -> memref<1x128xi32, #tpu.memory_space<vmem>>
        %dma_start3A_72 = tpu.memref_squeeze %dma_start3A_71 : memref<1x128xi32, #tpu.memory_space<vmem>> -> memref<128xi32, #tpu.memory_space<vmem>>
        %dma_start3A_73 = arith.constant 0 : i32
        %dma_start3A_74 = arith.constant 0 : i32
        %dma_start3A_75 = tpu.memref_slice %arg10[%dma_start3A_73, %dma_start3A_74] : memref<10240x128xf32, #tpu.memory_space<vmem_shared>> -> memref<10240x128xf32, #tpu.memory_space<vmem_shared>>
        tpu.enqueue_indirect_dma source(%arg9 : memref<128x128xf32, #tpu.memory_space<vmem>>) target(%dma_start3A_75 : memref<10240x128xf32, #tpu.memory_space<vmem_shared>>) offsets(%dma_start3A_72 : memref<128xi32, #tpu.memory_space<vmem>>) semaphore(%run_scoped3A : memref<!tpu.dma_semaphore, #tpu.memory_space<semaphore_mem>>) {add = true}
        %dma_wait3A = arith.constant 0 : i32
        %dma_wait3A_76 = tpu.memref_slice %arg8[%scan3A_70, %dma_wait3A] : memref<80x128xi32, #tpu.memory_space<vmem>> -> memref<1x128xi32, #tpu.memory_space<vmem>>
        %dma_wait3A_77 = tpu.memref_squeeze %dma_wait3A_76 : memref<1x128xi32, #tpu.memory_space<vmem>> -> memref<128xi32, #tpu.memory_space<vmem>>
        %dma_wait3A_78 = arith.constant 0 : i32
        %dma_wait3A_79 = arith.constant 0 : i32
        %dma_wait3A_80 = tpu.memref_slice %arg10[%dma_wait3A_78, %dma_wait3A_79] : memref<10240x128xf32, #tpu.memory_space<vmem_shared>> -> memref<10240x128xf32, #tpu.memory_space<vmem_shared>>
        tpu.wait_indirect_dma semaphore(%run_scoped3A : memref<!tpu.dma_semaphore, #tpu.memory_space<semaphore_mem>>) src(%arg9 : memref<128x128xf32, #tpu.memory_space<vmem>>) dst(%dma_wait3A_80 : memref<10240x128xf32, #tpu.memory_space<vmem_shared>>)
        tpu.yield
      }) : () -> ()
    }
    %scan3A_28 = arith.constant 80 : i32
    %barrier3A_29 = arith.constant 0 : index
    tpu.barrier barrier_id(%barrier3A_29)
    %mul3A_30 = arith.constant 640 : i32
    %mul3A_31 = arith.muli %arg1, %mul3A_30 : i32
    %mul3A_32 = arith.constant 640 : i32
    %mul3A_33 = arith.muli %arg1, %mul3A_32 : i32
    "tpu.region"() ({
      %run_scoped3A = tpu.sem_alloc : memref<!tpu.dma_semaphore, #tpu.memory_space<semaphore_mem>>
      %dma_start3A = arith.constant 0 : i32
      %dma_start3A_70 = tpu.memref_slice %arg6[%add3A_1, %mul3A_33, %dma_start3A] : memref<4x10240x128xf32, #tpu.memory_space<hbm>> -> memref<1x640x128xf32, #tpu.memory_space<hbm>>
      %dma_start3A_71 = tpu.memref_squeeze %dma_start3A_70 : memref<1x640x128xf32, #tpu.memory_space<hbm>> -> memref<640x128xf32, #tpu.memory_space<hbm>>
      %dma_start3A_72 = arith.constant 0 : i32
      %dma_start3A_73 = tpu.memref_slice %arg10[%mul3A_31, %dma_start3A_72] : memref<10240x128xf32, #tpu.memory_space<vmem_shared>> -> memref<640x128xf32, #tpu.memory_space<vmem_shared>>
      tpu.enqueue_dma source(%dma_start3A_73 : memref<640x128xf32, #tpu.memory_space<vmem_shared>>) target(%dma_start3A_71 : memref<640x128xf32, #tpu.memory_space<hbm>>) target_semaphore(%run_scoped3A : memref<!tpu.dma_semaphore, #tpu.memory_space<semaphore_mem>>)
      %dma_wait3A = arith.constant 0 : i32
      %dma_wait3A_74 = tpu.memref_slice %arg6[%add3A_1, %mul3A_33, %dma_wait3A] : memref<4x10240x128xf32, #tpu.memory_space<hbm>> -> memref<1x640x128xf32, #tpu.memory_space<hbm>>
      %dma_wait3A_75 = tpu.memref_squeeze %dma_wait3A_74 : memref<1x640x128xf32, #tpu.memory_space<hbm>> -> memref<640x128xf32, #tpu.memory_space<hbm>>
      %dma_wait3A_76 = arith.constant 0 : i32
      %dma_wait3A_77 = tpu.memref_slice %arg10[%mul3A_31, %dma_wait3A_76] : memref<10240x128xf32, #tpu.memory_space<vmem_shared>> -> memref<640x128xf32, #tpu.memory_space<vmem_shared>>
      tpu.wait_dma2 semaphore(%run_scoped3A : memref<!tpu.dma_semaphore, #tpu.memory_space<semaphore_mem>>) src(%dma_wait3A_77 : memref<640x128xf32, #tpu.memory_space<vmem_shared>>) dst(%dma_wait3A_75 : memref<640x128xf32, #tpu.memory_space<hbm>>)
      tpu.yield
    }) : () -> ()
    %add3A_34 = arith.constant 2 : i32
    %add3A_35 = arith.addi %add3A_34, %arg0 : i32
    %mul3A_36 = arith.constant 80 : i32
    %mul3A_37 = arith.muli %arg1, %mul3A_36 : i32
    "tpu.region"() ({
      %run_scoped3A = tpu.sem_alloc : memref<!tpu.dma_semaphore, #tpu.memory_space<semaphore_mem>>
      %dma_start3A = arith.constant 0 : i32
      %dma_start3A_70 = tpu.memref_slice %arg3[%add3A_35, %mul3A_37, %dma_start3A] : memref<4x1280x128xi32, #tpu.memory_space<hbm>> -> memref<1x80x128xi32, #tpu.memory_space<hbm>>
      %dma_start3A_71 = tpu.memref_squeeze %dma_start3A_70 : memref<1x80x128xi32, #tpu.memory_space<hbm>> -> memref<80x128xi32, #tpu.memory_space<hbm>>
      %dma_start3A_72 = arith.constant 0 : i32
      %dma_start3A_73 = tpu.memref_slice %arg3[%add3A_35, %mul3A_37, %dma_start3A_72] : memref<4x1280x128xi32, #tpu.memory_space<hbm>> -> memref<1x80x128xi32, #tpu.memory_space<hbm>>
      %dma_start3A_74 = tpu.memref_squeeze %dma_start3A_73 : memref<1x80x128xi32, #tpu.memory_space<hbm>> -> memref<80x128xi32, #tpu.memory_space<hbm>>
      tpu.enqueue_dma source(%dma_start3A_74 : memref<80x128xi32, #tpu.memory_space<hbm>>) target(%arg7 : memref<80x128xi32, #tpu.memory_space<vmem>>) target_semaphore(%run_scoped3A : memref<!tpu.dma_semaphore, #tpu.memory_space<semaphore_mem>>)
      %dma_wait3A = arith.constant 0 : i32
      %dma_wait3A_75 = tpu.memref_slice %arg3[%add3A_35, %mul3A_37, %dma_wait3A] : memref<4x1280x128xi32, #tpu.memory_space<hbm>> -> memref<1x80x128xi32, #tpu.memory_space<hbm>>
      %dma_wait3A_76 = tpu.memref_squeeze %dma_wait3A_75 : memref<1x80x128xi32, #tpu.memory_space<hbm>> -> memref<80x128xi32, #tpu.memory_space<hbm>>
      %dma_wait3A_77 = arith.constant 0 : i32
      %dma_wait3A_78 = tpu.memref_slice %arg3[%add3A_35, %mul3A_37, %dma_wait3A_77] : memref<4x1280x128xi32, #tpu.memory_space<hbm>> -> memref<1x80x128xi32, #tpu.memory_space<hbm>>
      %dma_wait3A_79 = tpu.memref_squeeze %dma_wait3A_78 : memref<1x80x128xi32, #tpu.memory_space<hbm>> -> memref<80x128xi32, #tpu.memory_space<hbm>>
      tpu.wait_dma2 semaphore(%run_scoped3A : memref<!tpu.dma_semaphore, #tpu.memory_space<semaphore_mem>>) src(%dma_wait3A_79 : memref<80x128xi32, #tpu.memory_space<hbm>>) dst(%arg7 : memref<80x128xi32, #tpu.memory_space<vmem>>)
      tpu.yield
    }) : () -> ()
    %mul3A_38 = arith.constant 640 : i32
    %mul3A_39 = arith.muli %arg1, %mul3A_38 : i32
    %add3A_40 = arith.constant 0 : i32
    %add3A_41 = arith.addi %mul3A_39, %add3A_40 : i32
    "tpu.region"() ({
      %run_scoped3A = tpu.sem_alloc : memref<!tpu.dma_semaphore, #tpu.memory_space<semaphore_mem>>
      %dma_start3A = arith.constant 0 : i32
      %dma_start3A_70 = tpu.memref_slice %arg10[%add3A_41, %dma_start3A] : memref<10240x128xf32, #tpu.memory_space<vmem_shared>> -> memref<128x128xf32, #tpu.memory_space<vmem_shared>>
      tpu.enqueue_dma source(%arg5 : memref<128x128xf32, #tpu.memory_space<hbm>>) target(%dma_start3A_70 : memref<128x128xf32, #tpu.memory_space<vmem_shared>>) target_semaphore(%run_scoped3A : memref<!tpu.dma_semaphore, #tpu.memory_space<semaphore_mem>>)
      %dma_wait3A = arith.constant 0 : i32
      %dma_wait3A_71 = tpu.memref_slice %arg10[%add3A_41, %dma_wait3A] : memref<10240x128xf32, #tpu.memory_space<vmem_shared>> -> memref<128x128xf32, #tpu.memory_space<vmem_shared>>
      tpu.wait_dma2 semaphore(%run_scoped3A : memref<!tpu.dma_semaphore, #tpu.memory_space<semaphore_mem>>) src(%arg5 : memref<128x128xf32, #tpu.memory_space<hbm>>) dst(%dma_wait3A_71 : memref<128x128xf32, #tpu.memory_space<vmem_shared>>)
      tpu.yield
    }) : () -> ()
    %mul3A_42 = arith.constant 640 : i32
    %mul3A_43 = arith.muli %arg1, %mul3A_42 : i32
    %add3A_44 = arith.constant 128 : i32
    %add3A_45 = arith.addi %mul3A_43, %add3A_44 : i32
    "tpu.region"() ({
      %run_scoped3A = tpu.sem_alloc : memref<!tpu.dma_semaphore, #tpu.memory_space<semaphore_mem>>
      %dma_start3A = arith.constant 0 : i32
      %dma_start3A_70 = tpu.memref_slice %arg10[%add3A_45, %dma_start3A] : memref<10240x128xf32, #tpu.memory_space<vmem_shared>> -> memref<128x128xf32, #tpu.memory_space<vmem_shared>>
      tpu.enqueue_dma source(%arg5 : memref<128x128xf32, #tpu.memory_space<hbm>>) target(%dma_start3A_70 : memref<128x128xf32, #tpu.memory_space<vmem_shared>>) target_semaphore(%run_scoped3A : memref<!tpu.dma_semaphore, #tpu.memory_space<semaphore_mem>>)
      %dma_wait3A = arith.constant 0 : i32
      %dma_wait3A_71 = tpu.memref_slice %arg10[%add3A_45, %dma_wait3A] : memref<10240x128xf32, #tpu.memory_space<vmem_shared>> -> memref<128x128xf32, #tpu.memory_space<vmem_shared>>
      tpu.wait_dma2 semaphore(%run_scoped3A : memref<!tpu.dma_semaphore, #tpu.memory_space<semaphore_mem>>) src(%arg5 : memref<128x128xf32, #tpu.memory_space<hbm>>) dst(%dma_wait3A_71 : memref<128x128xf32, #tpu.memory_space<vmem_shared>>)
      tpu.yield
    }) : () -> ()
    %mul3A_46 = arith.constant 640 : i32
    %mul3A_47 = arith.muli %arg1, %mul3A_46 : i32
    %add3A_48 = arith.constant 256 : i32
    %add3A_49 = arith.addi %mul3A_47, %add3A_48 : i32
    "tpu.region"() ({
      %run_scoped3A = tpu.sem_alloc : memref<!tpu.dma_semaphore, #tpu.memory_space<semaphore_mem>>
      %dma_start3A = arith.constant 0 : i32
      %dma_start3A_70 = tpu.memref_slice %arg10[%add3A_49, %dma_start3A] : memref<10240x128xf32, #tpu.memory_space<vmem_shared>> -> memref<128x128xf32, #tpu.memory_space<vmem_shared>>
      tpu.enqueue_dma source(%arg5 : memref<128x128xf32, #tpu.memory_space<hbm>>) target(%dma_start3A_70 : memref<128x128xf32, #tpu.memory_space<vmem_shared>>) target_semaphore(%run_scoped3A : memref<!tpu.dma_semaphore, #tpu.memory_space<semaphore_mem>>)
      %dma_wait3A = arith.constant 0 : i32
      %dma_wait3A_71 = tpu.memref_slice %arg10[%add3A_49, %dma_wait3A] : memref<10240x128xf32, #tpu.memory_space<vmem_shared>> -> memref<128x128xf32, #tpu.memory_space<vmem_shared>>
      tpu.wait_dma2 semaphore(%run_scoped3A : memref<!tpu.dma_semaphore, #tpu.memory_space<semaphore_mem>>) src(%arg5 : memref<128x128xf32, #tpu.memory_space<hbm>>) dst(%dma_wait3A_71 : memref<128x128xf32, #tpu.memory_space<vmem_shared>>)
      tpu.yield
    }) : () -> ()
    %mul3A_50 = arith.constant 640 : i32
    %mul3A_51 = arith.muli %arg1, %mul3A_50 : i32
    %add3A_52 = arith.constant 384 : i32
    %add3A_53 = arith.addi %mul3A_51, %add3A_52 : i32
    "tpu.region"() ({
      %run_scoped3A = tpu.sem_alloc : memref<!tpu.dma_semaphore, #tpu.memory_space<semaphore_mem>>
      %dma_start3A = arith.constant 0 : i32
      %dma_start3A_70 = tpu.memref_slice %arg10[%add3A_53, %dma_start3A] : memref<10240x128xf32, #tpu.memory_space<vmem_shared>> -> memref<128x128xf32, #tpu.memory_space<vmem_shared>>
      tpu.enqueue_dma source(%arg5 : memref<128x128xf32, #tpu.memory_space<hbm>>) target(%dma_start3A_70 : memref<128x128xf32, #tpu.memory_space<vmem_shared>>) target_semaphore(%run_scoped3A : memref<!tpu.dma_semaphore, #tpu.memory_space<semaphore_mem>>)
      %dma_wait3A = arith.constant 0 : i32
      %dma_wait3A_71 = tpu.memref_slice %arg10[%add3A_53, %dma_wait3A] : memref<10240x128xf32, #tpu.memory_space<vmem_shared>> -> memref<128x128xf32, #tpu.memory_space<vmem_shared>>
      tpu.wait_dma2 semaphore(%run_scoped3A : memref<!tpu.dma_semaphore, #tpu.memory_space<semaphore_mem>>) src(%arg5 : memref<128x128xf32, #tpu.memory_space<hbm>>) dst(%dma_wait3A_71 : memref<128x128xf32, #tpu.memory_space<vmem_shared>>)
      tpu.yield
    }) : () -> ()
    %mul3A_54 = arith.constant 640 : i32
    %mul3A_55 = arith.muli %arg1, %mul3A_54 : i32
    %add3A_56 = arith.constant 512 : i32
    %add3A_57 = arith.addi %mul3A_55, %add3A_56 : i32
    "tpu.region"() ({
      %run_scoped3A = tpu.sem_alloc : memref<!tpu.dma_semaphore, #tpu.memory_space<semaphore_mem>>
      %dma_start3A = arith.constant 0 : i32
      %dma_start3A_70 = tpu.memref_slice %arg10[%add3A_57, %dma_start3A] : memref<10240x128xf32, #tpu.memory_space<vmem_shared>> -> memref<128x128xf32, #tpu.memory_space<vmem_shared>>
      tpu.enqueue_dma source(%arg5 : memref<128x128xf32, #tpu.memory_space<hbm>>) target(%dma_start3A_70 : memref<128x128xf32, #tpu.memory_space<vmem_shared>>) target_semaphore(%run_scoped3A : memref<!tpu.dma_semaphore, #tpu.memory_space<semaphore_mem>>)
      %dma_wait3A = arith.constant 0 : i32
      %dma_wait3A_71 = tpu.memref_slice %arg10[%add3A_57, %dma_wait3A] : memref<10240x128xf32, #tpu.memory_space<vmem_shared>> -> memref<128x128xf32, #tpu.memory_space<vmem_shared>>
      tpu.wait_dma2 semaphore(%run_scoped3A : memref<!tpu.dma_semaphore, #tpu.memory_space<semaphore_mem>>) src(%arg5 : memref<128x128xf32, #tpu.memory_space<hbm>>) dst(%dma_wait3A_71 : memref<128x128xf32, #tpu.memory_space<vmem_shared>>)
      tpu.yield
    }) : () -> ()
    %barrier3A_58 = arith.constant 0 : index
    tpu.barrier barrier_id(%barrier3A_58)
    %scan3A_59 = arith.constant 0 : i32
    %scan3A_60 = arith.constant 0 : i32
    %scan3A_61 = arith.constant 80 : i32
    %scan3A_62 = arith.addi %scan3A_60, %scan3A_61 : i32
    %scan3A_63 = arith.constant 1 : i32
    scf.for %scan3A_70 = %scan3A_60 to %scan3A_62 step %scan3A_63  : i32 {
      "tpu.region"() ({
        %run_scoped3A = tpu.sem_alloc : memref<!tpu.dma_semaphore, #tpu.memory_space<semaphore_mem>>
        %dma_start3A = arith.constant 0 : i32
        %dma_start3A_71 = tpu.memref_slice %arg7[%scan3A_70, %dma_start3A] : memref<80x128xi32, #tpu.memory_space<vmem>> -> memref<1x128xi32, #tpu.memory_space<vmem>>
        %dma_start3A_72 = tpu.memref_squeeze %dma_start3A_71 : memref<1x128xi32, #tpu.memory_space<vmem>> -> memref<128xi32, #tpu.memory_space<vmem>>
        %dma_start3A_73 = arith.constant 0 : i32
        %dma_start3A_74 = arith.constant 0 : i32
        %dma_start3A_75 = tpu.memref_slice %arg2[%dma_start3A_73, %dma_start3A_74] : memref<40960x128xf32, #tpu.memory_space<hbm>> -> memref<40960x128xf32, #tpu.memory_space<hbm>>
        tpu.enqueue_indirect_dma source(%dma_start3A_75 : memref<40960x128xf32, #tpu.memory_space<hbm>>) target(%arg9 : memref<128x128xf32, #tpu.memory_space<vmem>>) offsets(%dma_start3A_72 : memref<128xi32, #tpu.memory_space<vmem>>) semaphore(%run_scoped3A : memref<!tpu.dma_semaphore, #tpu.memory_space<semaphore_mem>>)
        %dma_wait3A = arith.constant 0 : i32
        %dma_wait3A_76 = tpu.memref_slice %arg7[%scan3A_70, %dma_wait3A] : memref<80x128xi32, #tpu.memory_space<vmem>> -> memref<1x128xi32, #tpu.memory_space<vmem>>
        %dma_wait3A_77 = tpu.memref_squeeze %dma_wait3A_76 : memref<1x128xi32, #tpu.memory_space<vmem>> -> memref<128xi32, #tpu.memory_space<vmem>>
        %dma_wait3A_78 = arith.constant 0 : i32
        %dma_wait3A_79 = arith.constant 0 : i32
        %dma_wait3A_80 = tpu.memref_slice %arg2[%dma_wait3A_78, %dma_wait3A_79] : memref<40960x128xf32, #tpu.memory_space<hbm>> -> memref<40960x128xf32, #tpu.memory_space<hbm>>
        tpu.wait_indirect_dma semaphore(%run_scoped3A : memref<!tpu.dma_semaphore, #tpu.memory_space<semaphore_mem>>) src(%dma_wait3A_80 : memref<40960x128xf32, #tpu.memory_space<hbm>>) dst(%arg9 : memref<128x128xf32, #tpu.memory_space<vmem>>)
        tpu.yield
      }) : () -> ()
      "tpu.region"() ({
        %run_scoped3A = tpu.sem_alloc : memref<!tpu.dma_semaphore, #tpu.memory_space<semaphore_mem>>
        %dma_start3A = arith.constant 0 : i32
        %dma_start3A_71 = tpu.memref_slice %arg8[%scan3A_70, %dma_start3A] : memref<80x128xi32, #tpu.memory_space<vmem>> -> memref<1x128xi32, #tpu.memory_space<vmem>>
        %dma_start3A_72 = tpu.memref_squeeze %dma_start3A_71 : memref<1x128xi32, #tpu.memory_space<vmem>> -> memref<128xi32, #tpu.memory_space<vmem>>
        %dma_start3A_73 = arith.constant 0 : i32
        %dma_start3A_74 = arith.constant 0 : i32
        %dma_start3A_75 = tpu.memref_slice %arg10[%dma_start3A_73, %dma_start3A_74] : memref<10240x128xf32, #tpu.memory_space<vmem_shared>> -> memref<10240x128xf32, #tpu.memory_space<vmem_shared>>
        tpu.enqueue_indirect_dma source(%arg9 : memref<128x128xf32, #tpu.memory_space<vmem>>) target(%dma_start3A_75 : memref<10240x128xf32, #tpu.memory_space<vmem_shared>>) offsets(%dma_start3A_72 : memref<128xi32, #tpu.memory_space<vmem>>) semaphore(%run_scoped3A : memref<!tpu.dma_semaphore, #tpu.memory_space<semaphore_mem>>) {add = true}
        %dma_wait3A = arith.constant 0 : i32
        %dma_wait3A_76 = tpu.memref_slice %arg8[%scan3A_70, %dma_wait3A] : memref<80x128xi32, #tpu.memory_space<vmem>> -> memref<1x128xi32, #tpu.memory_space<vmem>>
        %dma_wait3A_77 = tpu.memref_squeeze %dma_wait3A_76 : memref<1x128xi32, #tpu.memory_space<vmem>> -> memref<128xi32, #tpu.memory_space<vmem>>
        %dma_wait3A_78 = arith.constant 0 : i32
        %dma_wait3A_79 = arith.constant 0 : i32
        %dma_wait3A_80 = tpu.memref_slice %arg10[%dma_wait3A_78, %dma_wait3A_79] : memref<10240x128xf32, #tpu.memory_space<vmem_shared>> -> memref<10240x128xf32, #tpu.memory_space<vmem_shared>>
        tpu.wait_indirect_dma semaphore(%run_scoped3A : memref<!tpu.dma_semaphore, #tpu.memory_space<semaphore_mem>>) src(%arg9 : memref<128x128xf32, #tpu.memory_space<vmem>>) dst(%dma_wait3A_80 : memref<10240x128xf32, #tpu.memory_space<vmem_shared>>)
        tpu.yield
      }) : () -> ()
    }
    %scan3A_64 = arith.constant 80 : i32
    %barrier3A_65 = arith.constant 0 : index
    tpu.barrier barrier_id(%barrier3A_65)
    %mul3A_66 = arith.constant 640 : i32
    %mul3A_67 = arith.muli %arg1, %mul3A_66 : i32
    %mul3A_68 = arith.constant 640 : i32
    %mul3A_69 = arith.muli %arg1, %mul3A_68 : i32
    "tpu.region"() ({
      %run_scoped3A = tpu.sem_alloc : memref<!tpu.dma_semaphore, #tpu.memory_space<semaphore_mem>>
      %dma_start3A = arith.constant 0 : i32
      %dma_start3A_70 = tpu.memref_slice %arg6[%add3A_35, %mul3A_69, %dma_start3A] : memref<4x10240x128xf32, #tpu.memory_space<hbm>> -> memref<1x640x128xf32, #tpu.memory_space<hbm>>
      %dma_start3A_71 = tpu.memref_squeeze %dma_start3A_70 : memref<1x640x128xf32, #tpu.memory_space<hbm>> -> memref<640x128xf32, #tpu.memory_space<hbm>>
      %dma_start3A_72 = arith.constant 0 : i32
      %dma_start3A_73 = tpu.memref_slice %arg10[%mul3A_67, %dma_start3A_72] : memref<10240x128xf32, #tpu.memory_space<vmem_shared>> -> memref<640x128xf32, #tpu.memory_space<vmem_shared>>
      tpu.enqueue_dma source(%dma_start3A_73 : memref<640x128xf32, #tpu.memory_space<vmem_shared>>) target(%dma_start3A_71 : memref<640x128xf32, #tpu.memory_space<hbm>>) target_semaphore(%run_scoped3A : memref<!tpu.dma_semaphore, #tpu.memory_space<semaphore_mem>>)
      %dma_wait3A = arith.constant 0 : i32
      %dma_wait3A_74 = tpu.memref_slice %arg6[%add3A_35, %mul3A_69, %dma_wait3A] : memref<4x10240x128xf32, #tpu.memory_space<hbm>> -> memref<1x640x128xf32, #tpu.memory_space<hbm>>
      %dma_wait3A_75 = tpu.memref_squeeze %dma_wait3A_74 : memref<1x640x128xf32, #tpu.memory_space<hbm>> -> memref<640x128xf32, #tpu.memory_space<hbm>>
      %dma_wait3A_76 = arith.constant 0 : i32
      %dma_wait3A_77 = tpu.memref_slice %arg10[%mul3A_67, %dma_wait3A_76] : memref<10240x128xf32, #tpu.memory_space<vmem_shared>> -> memref<640x128xf32, #tpu.memory_space<vmem_shared>>
      tpu.wait_dma2 semaphore(%run_scoped3A : memref<!tpu.dma_semaphore, #tpu.memory_space<semaphore_mem>>) src(%dma_wait3A_77 : memref<640x128xf32, #tpu.memory_space<vmem_shared>>) dst(%dma_wait3A_75 : memref<640x128xf32, #tpu.memory_space<hbm>>)
      tpu.yield
    }) : () -> ()
    return
  }
}

module attributes {stable_mosaic.version = 14 : i64} {
  func.func @_tc_a_body(%arg0: i32, %arg1: memref<512x256xf32, #tpu.memory_space<vmem>>, %arg2: memref<2x512x128xf32, #tpu.memory_space<vmem>>, %arg3: memref<2x512x128xf32, #tpu.memory_space<vmem>>) attributes {dimension_semantics = [#tpu.dimension_semantics<arbitrary>], iteration_bounds = array<i64: 20>, scalar_prefetch = 0 : i64, scratch_operands = 0 : i64, tpu.core_type = #tpu.core_type<tc>, window_params = [{transform_indices = @transform_0, window_bounds = array<i64: 512, 256>}, {transform_indices = @transform_1, window_bounds = array<i64: 2, 512, 128>}, {transform_indices = @transform_2, window_bounds = array<i64: 2, 512, 128>}]} {
    %get3A = arith.constant 0 : index
    %get3A_0 = arith.constant 0 : index
    %get3A_1 = arith.constant 0 : index
    %get3A_2 = vector.load %arg2[%get3A, %get3A_0, %get3A_1] : memref<2x512x128xf32, #tpu.memory_space<vmem>>, vector<1x512x1xf32>
    %get3A_3 = vector.shape_cast %get3A_2 : vector<1x512x1xf32> to vector<512x1xf32>
    %get3A_4 = arith.constant 1 : index
    %get3A_5 = arith.constant 0 : index
    %get3A_6 = arith.constant 0 : index
    %get3A_7 = vector.load %arg2[%get3A_4, %get3A_5, %get3A_6] : memref<2x512x128xf32, #tpu.memory_space<vmem>>, vector<1x512x1xf32>
    %get3A_8 = vector.shape_cast %get3A_7 : vector<1x512x1xf32> to vector<512x1xf32>
    %add3A = arith.addf %get3A_3, %get3A_8 : vector<512x1xf32>
    %add3A_9 = arith.constant 1.000000e+00 : f32
    %add3A_10 = vector.broadcast %add3A_9 : f32 to vector<512x1xf32>
    %add3A_11 = arith.addf %add3A, %add3A_10 : vector<512x1xf32>
    %rsqrt3A = math.rsqrt %add3A_11 : vector<512x1xf32>
    %get3A_12 = arith.constant 0 : index
    %get3A_13 = arith.constant 0 : index
    %get3A_14 = vector.load %arg1[%get3A_12, %get3A_13] : memref<512x256xf32, #tpu.memory_space<vmem>>, vector<512x128xf32>
    %mul3A = vector.broadcast %rsqrt3A : vector<512x1xf32> to vector<512x128xf32>
    %mul3A_15 = arith.mulf %mul3A, %get3A_14 : vector<512x128xf32>
    %swap3A = arith.constant 0 : index
    %swap3A_16 = arith.constant 0 : index
    %swap3A_17 = arith.constant 0 : index
    %swap3A_18 = vector.load %arg3[%swap3A, %swap3A_16, %swap3A_17] : memref<2x512x128xf32, #tpu.memory_space<vmem>>, vector<1x512x128xf32>
    %swap3A_19 = vector.shape_cast %swap3A_18 : vector<1x512x128xf32> to vector<512x128xf32>
    %swap3A_20 = vector.shape_cast %mul3A_15 : vector<512x128xf32> to vector<1x512x128xf32>
    tpu.vector_store %arg3[%swap3A, %swap3A_16, %swap3A_17], %swap3A_20 {strides = array<i32>} : memref<2x512x128xf32, #tpu.memory_space<vmem>>, vector<1x512x128xf32>,
    %get3A_21 = arith.constant 0 : index
    %get3A_22 = arith.constant 128 : index
    %get3A_23 = vector.load %arg1[%get3A_21, %get3A_22] : memref<512x256xf32, #tpu.memory_space<vmem>>, vector<512x128xf32>
    %mul3A_24 = vector.broadcast %rsqrt3A : vector<512x1xf32> to vector<512x128xf32>
    %mul3A_25 = arith.mulf %mul3A_24, %get3A_23 : vector<512x128xf32>
    %swap3A_26 = arith.constant 1 : index
    %swap3A_27 = arith.constant 0 : index
    %swap3A_28 = arith.constant 0 : index
    %swap3A_29 = vector.load %arg3[%swap3A_26, %swap3A_27, %swap3A_28] : memref<2x512x128xf32, #tpu.memory_space<vmem>>, vector<1x512x128xf32>
    %swap3A_30 = vector.shape_cast %swap3A_29 : vector<1x512x128xf32> to vector<512x128xf32>
    %swap3A_31 = vector.shape_cast %mul3A_25 : vector<512x128xf32> to vector<1x512x128xf32>
    tpu.vector_store %arg3[%swap3A_26, %swap3A_27, %swap3A_28], %swap3A_31 {strides = array<i32>} : memref<2x512x128xf32, #tpu.memory_space<vmem>>, vector<1x512x128xf32>,
    return
  }
  func.func @transform_0(%arg0: i32) -> (i32, i32) {
    %c0_i32 = arith.constant 0 : i32
    %c0_i32_0 = arith.constant 0 : i32
    return %arg0, %c0_i32 : i32, i32
  }
  func.func @transform_1(%arg0: i32) -> (i32, i32, i32) {
    %c0_i32 = arith.constant 0 : i32
    %c0_i32_0 = arith.constant 0 : i32
    %c0_i32_1 = arith.constant 0 : i32
    return %c0_i32, %arg0, %c0_i32_0 : i32, i32, i32
  }
  func.func @transform_2(%arg0: i32) -> (i32, i32, i32) {
    %c0_i32 = arith.constant 0 : i32
    %c0_i32_0 = arith.constant 0 : i32
    %c0_i32_1 = arith.constant 0 : i32
    return %c0_i32, %arg0, %c0_i32_0 : i32, i32, i32
  }
}

module attributes {stable_mosaic.version = 14 : i64} {
  func.func @_tc_b_body(%arg0: i32, %arg1: memref<2x512x128xf32, #tpu.memory_space<vmem>>, %arg2: memref<512x256xf32, #tpu.memory_space<vmem>>, %arg3: memref<2x512x128xf32, #tpu.memory_space<vmem>>, %arg4: memref<256x512xf32, #tpu.memory_space<vmem>>, %arg5: memref<1x512xf32, #tpu.memory_space<vmem>>, %arg6: memref<1x512xf32, #tpu.memory_space<vmem>>, %arg7: memref<1x512xf32, #tpu.memory_space<vmem>>, %arg8: memref<512x512xf32, #tpu.memory_space<vmem>>, %arg9: memref<512x512xf32, #tpu.memory_space<vmem>>, %arg10: memref<4x512x128xf32, #tpu.memory_space<vmem>>) attributes {dimension_semantics = [#tpu.dimension_semantics<arbitrary>], iteration_bounds = array<i64: 20>, scalar_prefetch = 0 : i64, scratch_operands = 0 : i64, tpu.core_type = #tpu.core_type<tc>, window_params = [{transform_indices = @transform_0, window_bounds = array<i64: 2, 512, 128>}, {transform_indices = @transform_1, window_bounds = array<i64: 512, 256>}, {transform_indices = @transform_2, window_bounds = array<i64: 2, 512, 128>}, {pipeline_mode = #tpu.pipeline_mode<synchronous>, transform_indices = @transform_3, window_bounds = array<i64: 256, 512>}, {pipeline_mode = #tpu.pipeline_mode<synchronous>, transform_indices = @transform_4, window_bounds = array<i64: 1, 512>}, {pipeline_mode = #tpu.pipeline_mode<synchronous>, transform_indices = @transform_5, window_bounds = array<i64: 1, 512>}, {pipeline_mode = #tpu.pipeline_mode<synchronous>, transform_indices = @transform_6, window_bounds = array<i64: 1, 512>}, {pipeline_mode = #tpu.pipeline_mode<synchronous>, transform_indices = @transform_7, window_bounds = array<i64: 512, 512>}, {transform_indices = @transform_8, window_bounds = array<i64: 512, 512>}, {transform_indices = @transform_9, window_bounds = array<i64: 4, 512, 128>}]} {
    %get3A = arith.constant 0 : index
    %get3A_0 = arith.constant 0 : index
    %get3A_1 = arith.constant 0 : index
    %get3A_2 = vector.load %arg3[%get3A, %get3A_0, %get3A_1] : memref<2x512x128xf32, #tpu.memory_space<vmem>>, vector<1x512x1xf32>
    %get3A_3 = vector.shape_cast %get3A_2 : vector<1x512x1xf32> to vector<512x1xf32>
    %get3A_4 = arith.constant 1 : index
    %get3A_5 = arith.constant 0 : index
    %get3A_6 = arith.constant 0 : index
    %get3A_7 = vector.load %arg3[%get3A_4, %get3A_5, %get3A_6] : memref<2x512x128xf32, #tpu.memory_space<vmem>>, vector<1x512x1xf32>
    %get3A_8 = vector.shape_cast %get3A_7 : vector<1x512x1xf32> to vector<512x1xf32>
    %add3A = arith.addf %get3A_3, %get3A_8 : vector<512x1xf32>
    %add3A_9 = arith.constant 1.000000e+00 : f32
    %add3A_10 = vector.broadcast %add3A_9 : f32 to vector<512x1xf32>
    %add3A_11 = arith.addf %add3A, %add3A_10 : vector<512x1xf32>
    %rsqrt3A = math.rsqrt %add3A_11 : vector<512x1xf32>
    %mul3A = arith.mulf %rsqrt3A, %rsqrt3A : vector<512x1xf32>
    %get3A_12 = arith.constant 0 : index
    %get3A_13 = arith.constant 0 : index
    %get3A_14 = arith.constant 0 : index
    %get3A_15 = vector.load %arg1[%get3A_12, %get3A_13, %get3A_14] : memref<2x512x128xf32, #tpu.memory_space<vmem>>, vector<1x512x128xf32>
    %get3A_16 = vector.shape_cast %get3A_15 : vector<1x512x128xf32> to vector<512x128xf32>
    %get3A_17 = arith.constant 0 : index
    %get3A_18 = arith.constant 0 : index
    %get3A_19 = vector.load %arg4[%get3A_17, %get3A_18] : memref<256x512xf32, #tpu.memory_space<vmem>>, vector<128x512xf32>
    %dot_general3A = arith.constant dense<0.000000e+00> : vector<512x512xf32>
    %dot_general3A_20 = tpu.matmul %get3A_16, %get3A_19, %dot_general3A {dimension_numbers = #tpu.dot_dimension_numbers<[1], [0], [0], [1], [0, 0, 1, 1], [], []>, transpose_lhs_hint = false} : vector<512x128xf32>, vector<128x512xf32>, vector<512x512xf32> -> vector<512x512xf32>
    %get3A_21 = arith.constant 1 : index
    %get3A_22 = arith.constant 0 : index
    %get3A_23 = arith.constant 0 : index
    %get3A_24 = vector.load %arg1[%get3A_21, %get3A_22, %get3A_23] : memref<2x512x128xf32, #tpu.memory_space<vmem>>, vector<1x512x128xf32>
    %get3A_25 = vector.shape_cast %get3A_24 : vector<1x512x128xf32> to vector<512x128xf32>
    %get3A_26 = arith.constant 128 : index
    %get3A_27 = arith.constant 0 : index
    %get3A_28 = vector.load %arg4[%get3A_26, %get3A_27] : memref<256x512xf32, #tpu.memory_space<vmem>>, vector<128x512xf32>
    %dot_general3A_29 = arith.constant dense<0.000000e+00> : vector<512x512xf32>
    %dot_general3A_30 = tpu.matmul %get3A_25, %get3A_28, %dot_general3A_29 {dimension_numbers = #tpu.dot_dimension_numbers<[1], [0], [0], [1], [0, 0, 1, 1], [], []>, transpose_lhs_hint = false} : vector<512x128xf32>, vector<128x512xf32>, vector<512x512xf32> -> vector<512x512xf32>
    %add3A_31 = arith.addf %dot_general3A_20, %dot_general3A_30 : vector<512x512xf32>
    %get3A_32 = arith.constant 0 : index
    %get3A_33 = arith.constant 0 : index
    %get3A_34 = vector.load %arg2[%get3A_32, %get3A_33] : memref<512x256xf32, #tpu.memory_space<vmem>>, vector<512x256xf32>
    %get3A_35 = arith.constant 0 : index
    %get3A_36 = arith.constant 0 : index
    %get3A_37 = vector.load %arg4[%get3A_35, %get3A_36] : memref<256x512xf32, #tpu.memory_space<vmem>>, vector<256x512xf32>
    %dot_general3A_38 = arith.constant dense<0.000000e+00> : vector<512x512xf32>
    %dot_general3A_39 = tpu.matmul %get3A_34, %get3A_37, %dot_general3A_38 {dimension_numbers = #tpu.dot_dimension_numbers<[1], [0], [0], [1], [0, 0, 1, 1], [], []>, transpose_lhs_hint = false} : vector<512x256xf32>, vector<256x512xf32>, vector<512x512xf32> -> vector<512x512xf32>
    %mul3A_40 = vector.broadcast %rsqrt3A : vector<512x1xf32> to vector<512x512xf32>
    %mul3A_41 = arith.mulf %mul3A_40, %add3A_31 : vector<512x512xf32>
    %mul3A_42 = vector.broadcast %mul3A : vector<512x1xf32> to vector<512x512xf32>
    %mul3A_43 = arith.mulf %mul3A_42, %dot_general3A_39 : vector<512x512xf32>
    %add3A_44 = arith.addf %mul3A_41, %mul3A_43 : vector<512x512xf32>
    %get3A_45 = arith.constant 0 : index
    %get3A_46 = arith.constant 0 : index
    %get3A_47 = vector.load %arg5[%get3A_45, %get3A_46] : memref<1x512xf32, #tpu.memory_space<vmem>>, vector<1x512xf32>
    %add3A_48 = vector.broadcast %get3A_47 : vector<1x512xf32> to vector<512x512xf32>
    %add3A_49 = arith.addf %add3A_44, %add3A_48 : vector<512x512xf32>
    %get3A_50 = arith.constant 0 : index
    %get3A_51 = arith.constant 0 : index
    %get3A_52 = vector.load %arg6[%get3A_50, %get3A_51] : memref<1x512xf32, #tpu.memory_space<vmem>>, vector<1x512xf32>
    %get3A_53 = arith.constant 0 : index
    %get3A_54 = arith.constant 0 : index
    %get3A_55 = vector.load %arg7[%get3A_53, %get3A_54] : memref<1x512xf32, #tpu.memory_space<vmem>>, vector<1x512xf32>
    %reduce_sum3A = arith.constant dense<0.000000e+00> : vector<512xf32>
    %reduce_sum3A_56 = vector.multi_reduction <add>, %add3A_49, %reduce_sum3A [1] : vector<512x512xf32> to vector<512xf32>
    %broadcast_in_dim3A = vector.shape_cast %reduce_sum3A_56 : vector<512xf32> to vector<512x1xf32>
    %div3A = arith.constant 5.120000e+02 : f32
    %div3A_57 = vector.broadcast %div3A : f32 to vector<512x1xf32>
    %div3A_58 = arith.divf %broadcast_in_dim3A, %div3A_57 : vector<512x1xf32>
    %sub3A = vector.broadcast %div3A_58 : vector<512x1xf32> to vector<512x512xf32>
    %sub3A_59 = arith.subf %add3A_49, %sub3A : vector<512x512xf32>
    %integer_pow3A = arith.mulf %sub3A_59, %sub3A_59 : vector<512x512xf32>
    %reduce_sum3A_60 = arith.constant dense<0.000000e+00> : vector<512xf32>
    %reduce_sum3A_61 = vector.multi_reduction <add>, %integer_pow3A, %reduce_sum3A_60 [1] : vector<512x512xf32> to vector<512xf32>
    %broadcast_in_dim3A_62 = vector.shape_cast %reduce_sum3A_61 : vector<512xf32> to vector<512x1xf32>
    %div3A_63 = arith.constant 5.120000e+02 : f32
    %div3A_64 = vector.broadcast %div3A_63 : f32 to vector<512x1xf32>
    %div3A_65 = arith.divf %broadcast_in_dim3A_62, %div3A_64 : vector<512x1xf32>
    %sub3A_66 = vector.broadcast %div3A_58 : vector<512x1xf32> to vector<512x512xf32>
    %sub3A_67 = arith.subf %add3A_49, %sub3A_66 : vector<512x512xf32>
    %add3A_68 = arith.constant 9.99999974E-6 : f32
    %add3A_69 = vector.broadcast %add3A_68 : f32 to vector<512x1xf32>
    %add3A_70 = arith.addf %div3A_65, %add3A_69 : vector<512x1xf32>
    %rsqrt3A_71 = math.rsqrt %add3A_70 : vector<512x1xf32>
    %mul3A_72 = vector.broadcast %rsqrt3A_71 : vector<512x1xf32> to vector<512x512xf32>
    %mul3A_73 = arith.mulf %sub3A_67, %mul3A_72 : vector<512x512xf32>
    %mul3A_74 = vector.broadcast %get3A_52 : vector<1x512xf32> to vector<512x512xf32>
    %mul3A_75 = arith.mulf %mul3A_73, %mul3A_74 : vector<512x512xf32>
    %add3A_76 = vector.broadcast %get3A_55 : vector<1x512xf32> to vector<512x512xf32>
    %add3A_77 = arith.addf %mul3A_75, %add3A_76 : vector<512x512xf32>
    %ge3A = arith.constant 0.000000e+00 : f32
    %ge3A_78 = vector.broadcast %ge3A : f32 to vector<512x512xf32>
    %ge3A_79 = arith.cmpf oge, %add3A_77, %ge3A_78 : vector<512x512xf32>
    %mul3A_80 = arith.constant 0.00999999977 : f32
    %mul3A_81 = vector.broadcast %mul3A_80 : f32 to vector<512x512xf32>
    %mul3A_82 = arith.mulf %mul3A_81, %add3A_77 : vector<512x512xf32>
    %select_n3A = arith.select %ge3A_79, %add3A_77, %mul3A_82 : vector<512x512xi1>, vector<512x512xf32>
    %get3A_83 = arith.constant 0 : index
    %get3A_84 = arith.constant 0 : index
    %get3A_85 = vector.load %arg8[%get3A_83, %get3A_84] : memref<512x512xf32, #tpu.memory_space<vmem>>, vector<512x512xf32>
    %dot_general3A_86 = arith.constant dense<0.000000e+00> : vector<512x512xf32>
    %dot_general3A_87 = tpu.matmul %select_n3A, %get3A_85, %dot_general3A_86 {dimension_numbers = #tpu.dot_dimension_numbers<[1], [0], [0], [1], [0, 0, 1, 1], [], []>, transpose_lhs_hint = false} : vector<512x512xf32>, vector<512x512xf32>, vector<512x512xf32> -> vector<512x512xf32>
    %swap3A = arith.constant 0 : index
    %swap3A_88 = arith.constant 0 : index
    %swap3A_89 = vector.load %arg9[%swap3A, %swap3A_88] : memref<512x512xf32, #tpu.memory_space<vmem>>, vector<512x512xf32>
    tpu.vector_store %arg9[%swap3A, %swap3A_88], %dot_general3A_87 {strides = array<i32>} : memref<512x512xf32, #tpu.memory_space<vmem>>, vector<512x512xf32>,
    %slice3A = vector.extract_strided_slice %dot_general3A_87 {offsets = [0, 0], sizes = [512, 128], strides = [1, 1]} : vector<512x512xf32> to vector<512x128xf32>
    %mul3A_90 = vector.broadcast %rsqrt3A : vector<512x1xf32> to vector<512x128xf32>
    %mul3A_91 = arith.mulf %mul3A_90, %slice3A : vector<512x128xf32>
    %swap3A_92 = arith.constant 0 : index
    %swap3A_93 = arith.constant 0 : index
    %swap3A_94 = arith.constant 0 : index
    %swap3A_95 = vector.load %arg10[%swap3A_92, %swap3A_93, %swap3A_94] : memref<4x512x128xf32, #tpu.memory_space<vmem>>, vector<1x512x128xf32>
    %swap3A_96 = vector.shape_cast %swap3A_95 : vector<1x512x128xf32> to vector<512x128xf32>
    %swap3A_97 = vector.shape_cast %mul3A_91 : vector<512x128xf32> to vector<1x512x128xf32>
    tpu.vector_store %arg10[%swap3A_92, %swap3A_93, %swap3A_94], %swap3A_97 {strides = array<i32>} : memref<4x512x128xf32, #tpu.memory_space<vmem>>, vector<1x512x128xf32>,
    %slice3A_98 = vector.extract_strided_slice %dot_general3A_87 {offsets = [0, 128], sizes = [512, 128], strides = [1, 1]} : vector<512x512xf32> to vector<512x128xf32>
    %mul3A_99 = vector.broadcast %rsqrt3A : vector<512x1xf32> to vector<512x128xf32>
    %mul3A_100 = arith.mulf %mul3A_99, %slice3A_98 : vector<512x128xf32>
    %swap3A_101 = arith.constant 1 : index
    %swap3A_102 = arith.constant 0 : index
    %swap3A_103 = arith.constant 0 : index
    %swap3A_104 = vector.load %arg10[%swap3A_101, %swap3A_102, %swap3A_103] : memref<4x512x128xf32, #tpu.memory_space<vmem>>, vector<1x512x128xf32>
    %swap3A_105 = vector.shape_cast %swap3A_104 : vector<1x512x128xf32> to vector<512x128xf32>
    %swap3A_106 = vector.shape_cast %mul3A_100 : vector<512x128xf32> to vector<1x512x128xf32>
    tpu.vector_store %arg10[%swap3A_101, %swap3A_102, %swap3A_103], %swap3A_106 {strides = array<i32>} : memref<4x512x128xf32, #tpu.memory_space<vmem>>, vector<1x512x128xf32>,
    %slice3A_107 = vector.extract_strided_slice %dot_general3A_87 {offsets = [0, 256], sizes = [512, 128], strides = [1, 1]} : vector<512x512xf32> to vector<512x128xf32>
    %mul3A_108 = vector.broadcast %rsqrt3A : vector<512x1xf32> to vector<512x128xf32>
    %mul3A_109 = arith.mulf %mul3A_108, %slice3A_107 : vector<512x128xf32>
    %swap3A_110 = arith.constant 2 : index
    %swap3A_111 = arith.constant 0 : index
    %swap3A_112 = arith.constant 0 : index
    %swap3A_113 = vector.load %arg10[%swap3A_110, %swap3A_111, %swap3A_112] : memref<4x512x128xf32, #tpu.memory_space<vmem>>, vector<1x512x128xf32>
    %swap3A_114 = vector.shape_cast %swap3A_113 : vector<1x512x128xf32> to vector<512x128xf32>
    %swap3A_115 = vector.shape_cast %mul3A_109 : vector<512x128xf32> to vector<1x512x128xf32>
    tpu.vector_store %arg10[%swap3A_110, %swap3A_111, %swap3A_112], %swap3A_115 {strides = array<i32>} : memref<4x512x128xf32, #tpu.memory_space<vmem>>, vector<1x512x128xf32>,
    %slice3A_116 = vector.extract_strided_slice %dot_general3A_87 {offsets = [0, 384], sizes = [512, 128], strides = [1, 1]} : vector<512x512xf32> to vector<512x128xf32>
    %mul3A_117 = vector.broadcast %rsqrt3A : vector<512x1xf32> to vector<512x128xf32>
    %mul3A_118 = arith.mulf %mul3A_117, %slice3A_116 : vector<512x128xf32>
    %swap3A_119 = arith.constant 3 : index
    %swap3A_120 = arith.constant 0 : index
    %swap3A_121 = arith.constant 0 : index
    %swap3A_122 = vector.load %arg10[%swap3A_119, %swap3A_120, %swap3A_121] : memref<4x512x128xf32, #tpu.memory_space<vmem>>, vector<1x512x128xf32>
    %swap3A_123 = vector.shape_cast %swap3A_122 : vector<1x512x128xf32> to vector<512x128xf32>
    %swap3A_124 = vector.shape_cast %mul3A_118 : vector<512x128xf32> to vector<1x512x128xf32>
    tpu.vector_store %arg10[%swap3A_119, %swap3A_120, %swap3A_121], %swap3A_124 {strides = array<i32>} : memref<4x512x128xf32, #tpu.memory_space<vmem>>, vector<1x512x128xf32>,
    return
  }
  func.func @transform_0(%arg0: i32) -> (i32, i32, i32) {
    %c0_i32 = arith.constant 0 : i32
    %c0_i32_0 = arith.constant 0 : i32
    %c0_i32_1 = arith.constant 0 : i32
    return %c0_i32, %arg0, %c0_i32_0 : i32, i32, i32
  }
  func.func @transform_1(%arg0: i32) -> (i32, i32) {
    %c0_i32 = arith.constant 0 : i32
    %c0_i32_0 = arith.constant 0 : i32
    return %arg0, %c0_i32 : i32, i32
  }
  func.func @transform_2(%arg0: i32) -> (i32, i32, i32) {
    %c0_i32 = arith.constant 0 : i32
    %c0_i32_0 = arith.constant 0 : i32
    %c0_i32_1 = arith.constant 0 : i32
    return %c0_i32, %arg0, %c0_i32_0 : i32, i32, i32
  }
  func.func @transform_3(%arg0: i32) -> (i32, i32) {
    %c0_i32 = arith.constant 0 : i32
    %c0_i32_0 = arith.constant 0 : i32
    %c0_i32_1 = arith.constant 0 : i32
    return %c0_i32, %c0_i32_0 : i32, i32
  }
  func.func @transform_4(%arg0: i32) -> (i32, i32) {
    %c0_i32 = arith.constant 0 : i32
    %c0_i32_0 = arith.constant 0 : i32
    %c0_i32_1 = arith.constant 0 : i32
    return %c0_i32, %c0_i32_0 : i32, i32
  }
  func.func @transform_5(%arg0: i32) -> (i32, i32) {
    %c0_i32 = arith.constant 0 : i32
    %c0_i32_0 = arith.constant 0 : i32
    %c0_i32_1 = arith.constant 0 : i32
    return %c0_i32, %c0_i32_0 : i32, i32
  }
  func.func @transform_6(%arg0: i32) -> (i32, i32) {
    %c0_i32 = arith.constant 0 : i32
    %c0_i32_0 = arith.constant 0 : i32
    %c0_i32_1 = arith.constant 0 : i32
    return %c0_i32, %c0_i32_0 : i32, i32
  }
  func.func @transform_7(%arg0: i32) -> (i32, i32) {
    %c0_i32 = arith.constant 0 : i32
    %c0_i32_0 = arith.constant 0 : i32
    %c0_i32_1 = arith.constant 0 : i32
    return %c0_i32, %c0_i32_0 : i32, i32
  }
  func.func @transform_8(%arg0: i32) -> (i32, i32) {
    %c0_i32 = arith.constant 0 : i32
    %c0_i32_0 = arith.constant 0 : i32
    return %arg0, %c0_i32 : i32, i32
  }
  func.func @transform_9(%arg0: i32) -> (i32, i32, i32) {
    %c0_i32 = arith.constant 0 : i32
    %c0_i32_0 = arith.constant 0 : i32
    %c0_i32_1 = arith.constant 0 : i32
    return %c0_i32, %arg0, %c0_i32_0 : i32, i32, i32
  }
}

module attributes {stable_mosaic.version = 14 : i64} {
  func.func @_tc_c_body(%arg0: i32, %arg1: memref<4x512x128xf32, #tpu.memory_space<vmem>>, %arg2: memref<512x512xf32, #tpu.memory_space<vmem>>, %arg3: memref<2x512x128xf32, #tpu.memory_space<vmem>>, %arg4: memref<1x512xf32, #tpu.memory_space<vmem>>, %arg5: memref<1x512xf32, #tpu.memory_space<vmem>>, %arg6: memref<1x512xf32, #tpu.memory_space<vmem>>, %arg7: memref<1x512xi32, #tpu.memory_space<vmem>>, %arg8: memref<32x32xf32, #tpu.memory_space<vmem>>, %arg9: memref<512x512xf32, #tpu.memory_space<vmem>>, %arg10: memref<1x512xf32, #tpu.memory_space<vmem>>, %arg11: memref<1x512xf32, #tpu.memory_space<vmem>>, %arg12: memref<1x512xf32, #tpu.memory_space<vmem>>, %arg13: memref<512x512xf32, #tpu.memory_space<vmem>>, %arg14: memref<1x512xf32, #tpu.memory_space<vmem>>, %arg15: memref<1x512xf32, #tpu.memory_space<vmem>>, %arg16: memref<1x512xf32, #tpu.memory_space<vmem>>, %arg17: memref<512x128xf32, #tpu.memory_space<vmem>>, %arg18: memref<1x128xf32, #tpu.memory_space<vmem>>, %arg19: memref<32x512xf32, #tpu.memory_space<vmem>>, %arg20: memref<32x128xf32, #tpu.memory_space<vmem>>, %arg21: memref<32x128xf32, #tpu.memory_space<vmem>>) attributes {dimension_semantics = [#tpu.dimension_semantics<arbitrary>], iteration_bounds = array<i64: 20>, scalar_prefetch = 0 : i64, scratch_operands = 0 : i64, tpu.core_type = #tpu.core_type<tc>, window_params = [{transform_indices = @transform_0, window_bounds = array<i64: 4, 512, 128>}, {transform_indices = @transform_1, window_bounds = array<i64: 512, 512>}, {transform_indices = @transform_2, window_bounds = array<i64: 2, 512, 128>}, {pipeline_mode = #tpu.pipeline_mode<synchronous>, transform_indices = @transform_3, window_bounds = array<i64: 1, 512>}, {pipeline_mode = #tpu.pipeline_mode<synchronous>, transform_indices = @transform_4, window_bounds = array<i64: 1, 512>}, {pipeline_mode = #tpu.pipeline_mode<synchronous>, transform_indices = @transform_5, window_bounds = array<i64: 1, 512>}, {transform_indices = @transform_6, window_bounds = array<i64: 1, 512>}, {pipeline_mode = #tpu.pipeline_mode<synchronous>, transform_indices = @transform_7, window_bounds = array<i64: 32, 32>}, {pipeline_mode = #tpu.pipeline_mode<synchronous>, transform_indices = @transform_8, window_bounds = array<i64: 512, 512>}, {pipeline_mode = #tpu.pipeline_mode<synchronous>, transform_indices = @transform_9, window_bounds = array<i64: 1, 512>}, {pipeline_mode = #tpu.pipeline_mode<synchronous>, transform_indices = @transform_10, window_bounds = array<i64: 1, 512>}, {pipeline_mode = #tpu.pipeline_mode<synchronous>, transform_indices = @transform_11, window_bounds = array<i64: 1, 512>}, {pipeline_mode = #tpu.pipeline_mode<synchronous>, transform_indices = @transform_12, window_bounds = array<i64: 512, 512>}, {pipeline_mode = #tpu.pipeline_mode<synchronous>, transform_indices = @transform_13, window_bounds = array<i64: 1, 512>}, {pipeline_mode = #tpu.pipeline_mode<synchronous>, transform_indices = @transform_14, window_bounds = array<i64: 1, 512>}, {pipeline_mode = #tpu.pipeline_mode<synchronous>, transform_indices = @transform_15, window_bounds = array<i64: 1, 512>}, {pipeline_mode = #tpu.pipeline_mode<synchronous>, transform_indices = @transform_16, window_bounds = array<i64: 512, 128>}, {pipeline_mode = #tpu.pipeline_mode<synchronous>, transform_indices = @transform_17, window_bounds = array<i64: 1, 128>}, {pipeline_mode = #tpu.pipeline_mode<synchronous>, transform_indices = @transform_18, window_bounds = array<i64: 32, 512>}, {pipeline_mode = #tpu.pipeline_mode<synchronous>, transform_indices = @transform_19, window_bounds = array<i64: 32, 128>}, {pipeline_mode = #tpu.pipeline_mode<synchronous>, transform_indices = @transform_20, window_bounds = array<i64: 32, 128>}]} {
    %get3A = arith.constant 0 : index
    %get3A_0 = arith.constant 0 : index
    %get3A_1 = arith.constant 0 : index
    %get3A_2 = vector.load %arg3[%get3A, %get3A_0, %get3A_1] : memref<2x512x128xf32, #tpu.memory_space<vmem>>, vector<1x512x1xf32>
    %get3A_3 = vector.shape_cast %get3A_2 : vector<1x512x1xf32> to vector<512x1xf32>
    %get3A_4 = arith.constant 1 : index
    %get3A_5 = arith.constant 0 : index
    %get3A_6 = arith.constant 0 : index
    %get3A_7 = vector.load %arg3[%get3A_4, %get3A_5, %get3A_6] : memref<2x512x128xf32, #tpu.memory_space<vmem>>, vector<1x512x1xf32>
    %get3A_8 = vector.shape_cast %get3A_7 : vector<1x512x1xf32> to vector<512x1xf32>
    %add3A = arith.addf %get3A_3, %get3A_8 : vector<512x1xf32>
    %add3A_9 = arith.constant 1.000000e+00 : f32
    %add3A_10 = vector.broadcast %add3A_9 : f32 to vector<512x1xf32>
    %add3A_11 = arith.addf %add3A, %add3A_10 : vector<512x1xf32>
    %rsqrt3A = math.rsqrt %add3A_11 : vector<512x1xf32>
    %mul3A = arith.mulf %rsqrt3A, %rsqrt3A : vector<512x1xf32>
    %get3A_12 = arith.constant 0 : index
    %get3A_13 = arith.constant 0 : index
    %get3A_14 = arith.constant 0 : index
    %get3A_15 = vector.load %arg1[%get3A_12, %get3A_13, %get3A_14] : memref<4x512x128xf32, #tpu.memory_space<vmem>>, vector<1x512x128xf32>
    %get3A_16 = vector.shape_cast %get3A_15 : vector<1x512x128xf32> to vector<512x128xf32>
    %get3A_17 = arith.constant 1 : index
    %get3A_18 = arith.constant 0 : index
    %get3A_19 = arith.constant 0 : index
    %get3A_20 = vector.load %arg1[%get3A_17, %get3A_18, %get3A_19] : memref<4x512x128xf32, #tpu.memory_space<vmem>>, vector<1x512x128xf32>
    %get3A_21 = vector.shape_cast %get3A_20 : vector<1x512x128xf32> to vector<512x128xf32>
    %get3A_22 = arith.constant 2 : index
    %get3A_23 = arith.constant 0 : index
    %get3A_24 = arith.constant 0 : index
    %get3A_25 = vector.load %arg1[%get3A_22, %get3A_23, %get3A_24] : memref<4x512x128xf32, #tpu.memory_space<vmem>>, vector<1x512x128xf32>
    %get3A_26 = vector.shape_cast %get3A_25 : vector<1x512x128xf32> to vector<512x128xf32>
    %get3A_27 = arith.constant 3 : index
    %get3A_28 = arith.constant 0 : index
    %get3A_29 = arith.constant 0 : index
    %get3A_30 = vector.load %arg1[%get3A_27, %get3A_28, %get3A_29] : memref<4x512x128xf32, #tpu.memory_space<vmem>>, vector<1x512x128xf32>
    %get3A_31 = vector.shape_cast %get3A_30 : vector<1x512x128xf32> to vector<512x128xf32>
    %concatenate3A = tpu.concatenate %get3A_16, %get3A_21, %get3A_26, %get3A_31 in 1 : vector<512x128xf32>, vector<512x128xf32>, vector<512x128xf32>, vector<512x128xf32> -> vector<512x512xf32>
    %mul3A_32 = vector.broadcast %rsqrt3A : vector<512x1xf32> to vector<512x512xf32>
    %mul3A_33 = arith.mulf %mul3A_32, %concatenate3A : vector<512x512xf32>
    %get3A_34 = arith.constant 0 : index
    %get3A_35 = arith.constant 0 : index
    %get3A_36 = vector.load %arg2[%get3A_34, %get3A_35] : memref<512x512xf32, #tpu.memory_space<vmem>>, vector<512x512xf32>
    %mul3A_37 = vector.broadcast %mul3A : vector<512x1xf32> to vector<512x512xf32>
    %mul3A_38 = arith.mulf %mul3A_37, %get3A_36 : vector<512x512xf32>
    %add3A_39 = arith.addf %mul3A_33, %mul3A_38 : vector<512x512xf32>
    %get3A_40 = arith.constant 0 : index
    %get3A_41 = arith.constant 0 : index
    %get3A_42 = vector.load %arg4[%get3A_40, %get3A_41] : memref<1x512xf32, #tpu.memory_space<vmem>>, vector<1x512xf32>
    %add3A_43 = vector.broadcast %get3A_42 : vector<1x512xf32> to vector<512x512xf32>
    %add3A_44 = arith.addf %add3A_39, %add3A_43 : vector<512x512xf32>
    %get3A_45 = arith.constant 0 : index
    %get3A_46 = arith.constant 0 : index
    %get3A_47 = vector.load %arg5[%get3A_45, %get3A_46] : memref<1x512xf32, #tpu.memory_space<vmem>>, vector<1x512xf32>
    %get3A_48 = arith.constant 0 : index
    %get3A_49 = arith.constant 0 : index
    %get3A_50 = vector.load %arg6[%get3A_48, %get3A_49] : memref<1x512xf32, #tpu.memory_space<vmem>>, vector<1x512xf32>
    %reduce_sum3A = arith.constant dense<0.000000e+00> : vector<512xf32>
    %reduce_sum3A_51 = vector.multi_reduction <add>, %add3A_44, %reduce_sum3A [1] : vector<512x512xf32> to vector<512xf32>
    %broadcast_in_dim3A = vector.shape_cast %reduce_sum3A_51 : vector<512xf32> to vector<512x1xf32>
    %div3A = arith.constant 5.120000e+02 : f32
    %div3A_52 = vector.broadcast %div3A : f32 to vector<512x1xf32>
    %div3A_53 = arith.divf %broadcast_in_dim3A, %div3A_52 : vector<512x1xf32>
    %sub3A = vector.broadcast %div3A_53 : vector<512x1xf32> to vector<512x512xf32>
    %sub3A_54 = arith.subf %add3A_44, %sub3A : vector<512x512xf32>
    %integer_pow3A = arith.mulf %sub3A_54, %sub3A_54 : vector<512x512xf32>
    %reduce_sum3A_55 = arith.constant dense<0.000000e+00> : vector<512xf32>
    %reduce_sum3A_56 = vector.multi_reduction <add>, %integer_pow3A, %reduce_sum3A_55 [1] : vector<512x512xf32> to vector<512xf32>
    %broadcast_in_dim3A_57 = vector.shape_cast %reduce_sum3A_56 : vector<512xf32> to vector<512x1xf32>
    %div3A_58 = arith.constant 5.120000e+02 : f32
    %div3A_59 = vector.broadcast %div3A_58 : f32 to vector<512x1xf32>
    %div3A_60 = arith.divf %broadcast_in_dim3A_57, %div3A_59 : vector<512x1xf32>
    %sub3A_61 = vector.broadcast %div3A_53 : vector<512x1xf32> to vector<512x512xf32>
    %sub3A_62 = arith.subf %add3A_44, %sub3A_61 : vector<512x512xf32>
    %add3A_63 = arith.constant 9.99999974E-6 : f32
    %add3A_64 = vector.broadcast %add3A_63 : f32 to vector<512x1xf32>
    %add3A_65 = arith.addf %div3A_60, %add3A_64 : vector<512x1xf32>
    %rsqrt3A_66 = math.rsqrt %add3A_65 : vector<512x1xf32>
    %mul3A_67 = vector.broadcast %rsqrt3A_66 : vector<512x1xf32> to vector<512x512xf32>
    %mul3A_68 = arith.mulf %sub3A_62, %mul3A_67 : vector<512x512xf32>
    %mul3A_69 = vector.broadcast %get3A_47 : vector<1x512xf32> to vector<512x512xf32>
    %mul3A_70 = arith.mulf %mul3A_68, %mul3A_69 : vector<512x512xf32>
    %add3A_71 = vector.broadcast %get3A_50 : vector<1x512xf32> to vector<512x512xf32>
    %add3A_72 = arith.addf %mul3A_70, %add3A_71 : vector<512x512xf32>
    %ge3A = arith.constant 0.000000e+00 : f32
    %ge3A_73 = vector.broadcast %ge3A : f32 to vector<512x512xf32>
    %ge3A_74 = arith.cmpf oge, %add3A_72, %ge3A_73 : vector<512x512xf32>
    %mul3A_75 = arith.constant 0.00999999977 : f32
    %mul3A_76 = vector.broadcast %mul3A_75 : f32 to vector<512x512xf32>
    %mul3A_77 = arith.mulf %mul3A_76, %add3A_72 : vector<512x512xf32>
    %select_n3A = arith.select %ge3A_74, %add3A_72, %mul3A_77 : vector<512x512xi1>, vector<512x512xf32>
    %iota3A = tpu.iota {dimensions = array<i32: 0>} : vector<32x512xi32>
    %get3A_78 = arith.constant 0 : index
    %get3A_79 = arith.constant 0 : index
    %get3A_80 = vector.load %arg7[%get3A_78, %get3A_79] : memref<1x512xi32, #tpu.memory_space<vmem>>, vector<1x512xi32>
    %eq3A = vector.broadcast %get3A_80 : vector<1x512xi32> to vector<32x512xi32>
    %eq3A_81 = arith.cmpi eq, %eq3A, %iota3A : vector<32x512xi32>
    %convert_element_type3A = arith.extui %eq3A_81 : vector<32x512xi1> to vector<32x512xi32>
    %convert_element_type3A_82 = arith.sitofp %convert_element_type3A : vector<32x512xi32> to vector<32x512xf32>
    %dot_general3A = arith.constant dense<0.000000e+00> : vector<32x512xf32>
    %dot_general3A_83 = tpu.matmul %convert_element_type3A_82, %select_n3A, %dot_general3A {dimension_numbers = #tpu.dot_dimension_numbers<[1], [0], [0], [1], [0, 0, 1, 1], [], []>, transpose_lhs_hint = false} : vector<32x512xf32>, vector<512x512xf32>, vector<32x512xf32> -> vector<32x512xf32>
    %reduce_sum3A_84 = arith.constant dense<0.000000e+00> : vector<32xf32>
    %reduce_sum3A_85 = vector.multi_reduction <add>, %convert_element_type3A_82, %reduce_sum3A_84 [1] : vector<32x512xf32> to vector<32xf32>
    %broadcast_in_dim3A_86 = vector.shape_cast %reduce_sum3A_85 : vector<32xf32> to vector<32x1xf32>
    %broadcast_in_dim3A_87 = vector.shape_cast %broadcast_in_dim3A_86 : vector<32x1xf32> to vector<32x1xf32>
    %broadcast_in_dim3A_88 = vector.broadcast %broadcast_in_dim3A_87 : vector<32x1xf32> to vector<32x128xf32>
    %eq3A_89 = arith.constant 0 : i32
    %eq3A_90 = arith.cmpi eq, %arg0, %eq3A_89 : i32
    %convert_element_type3A_91 = arith.extui %eq3A_90 : i1 to i32
    %cond3A = arith.constant 0 : i32
    %cond3A_92 = arith.cmpi ne, %convert_element_type3A_91, %cond3A : i32
    scf.if %cond3A_92 {
      %broadcast_in_dim3A_111 = arith.constant 0.000000e+00 : f32
      %broadcast_in_dim3A_112 = vector.broadcast %broadcast_in_dim3A_111 : f32 to vector<32x512xf32>
      %swap3A_113 = arith.constant 0 : index
      %swap3A_114 = arith.constant 0 : index
      %swap3A_115 = vector.load %arg19[%swap3A_113, %swap3A_114] : memref<32x512xf32, #tpu.memory_space<vmem>>, vector<32x512xf32>
      tpu.vector_store %arg19[%swap3A_113, %swap3A_114], %broadcast_in_dim3A_112 {strides = array<i32>} : memref<32x512xf32, #tpu.memory_space<vmem>>, vector<32x512xf32>,
      %broadcast_in_dim3A_116 = arith.constant 0.000000e+00 : f32
      %broadcast_in_dim3A_117 = vector.broadcast %broadcast_in_dim3A_116 : f32 to vector<32x128xf32>
      %swap3A_118 = arith.constant 0 : index
      %swap3A_119 = arith.constant 0 : index
      %swap3A_120 = vector.load %arg20[%swap3A_118, %swap3A_119] : memref<32x128xf32, #tpu.memory_space<vmem>>, vector<32x128xf32>
      tpu.vector_store %arg20[%swap3A_118, %swap3A_119], %broadcast_in_dim3A_117 {strides = array<i32>} : memref<32x128xf32, #tpu.memory_space<vmem>>, vector<32x128xf32>,
    } else {
    }
    %get3A_93 = arith.constant 0 : index
    %get3A_94 = arith.constant 0 : index
    %get3A_95 = vector.load %arg19[%get3A_93, %get3A_94] : memref<32x512xf32, #tpu.memory_space<vmem>>, vector<32x512xf32>
    %add3A_96 = arith.addf %get3A_95, %dot_general3A_83 : vector<32x512xf32>
    %swap3A = arith.constant 0 : index
    %swap3A_97 = arith.constant 0 : index
    %swap3A_98 = vector.load %arg19[%swap3A, %swap3A_97] : memref<32x512xf32, #tpu.memory_space<vmem>>, vector<32x512xf32>
    tpu.vector_store %arg19[%swap3A, %swap3A_97], %add3A_96 {strides = array<i32>} : memref<32x512xf32, #tpu.memory_space<vmem>>, vector<32x512xf32>,
    %get3A_99 = arith.constant 0 : index
    %get3A_100 = arith.constant 0 : index
    %get3A_101 = vector.load %arg20[%get3A_99, %get3A_100] : memref<32x128xf32, #tpu.memory_space<vmem>>, vector<32x128xf32>
    %add3A_102 = arith.addf %get3A_101, %broadcast_in_dim3A_88 : vector<32x128xf32>
    %swap3A_103 = arith.constant 0 : index
    %swap3A_104 = arith.constant 0 : index
    %swap3A_105 = vector.load %arg20[%swap3A_103, %swap3A_104] : memref<32x128xf32, #tpu.memory_space<vmem>>, vector<32x128xf32>
    tpu.vector_store %arg20[%swap3A_103, %swap3A_104], %add3A_102 {strides = array<i32>} : memref<32x128xf32, #tpu.memory_space<vmem>>, vector<32x128xf32>,
    %eq3A_106 = arith.constant 19 : i32
    %eq3A_107 = arith.cmpi eq, %arg0, %eq3A_106 : i32
    %convert_element_type3A_108 = arith.extui %eq3A_107 : i1 to i32
    %cond3A_109 = arith.constant 0 : i32
    %cond3A_110 = arith.cmpi ne, %convert_element_type3A_108, %cond3A_109 : i32
    scf.if %cond3A_110 {
      %get3A_111 = arith.constant 0 : index
      %get3A_112 = arith.constant 0 : index
      %get3A_113 = vector.load %arg20[%get3A_111, %get3A_112] : memref<32x128xf32, #tpu.memory_space<vmem>>, vector<32x1xf32>
      %max3A = arith.constant 1.000000e+00 : f32
      %max3A_114 = vector.broadcast %max3A : f32 to vector<32x1xf32>
      %max3A_115 = arith.maximumf %get3A_113, %max3A_114 : vector<32x1xf32>
      %get3A_116 = arith.constant 0 : index
      %get3A_117 = arith.constant 0 : index
      %get3A_118 = vector.load %arg19[%get3A_116, %get3A_117] : memref<32x512xf32, #tpu.memory_space<vmem>>, vector<32x512xf32>
      %div3A_119 = vector.broadcast %max3A_115 : vector<32x1xf32> to vector<32x512xf32>
      %div3A_120 = arith.divf %get3A_118, %div3A_119 : vector<32x512xf32>
      %get3A_121 = arith.constant 0 : index
      %get3A_122 = arith.constant 0 : index
      %get3A_123 = vector.load %arg8[%get3A_121, %get3A_122] : memref<32x32xf32, #tpu.memory_space<vmem>>, vector<32x32xf32>
      %get3A_124 = arith.constant 0 : index
      %get3A_125 = arith.constant 0 : index
      %get3A_126 = vector.load %arg9[%get3A_124, %get3A_125] : memref<512x512xf32, #tpu.memory_space<vmem>>, vector<512x512xf32>
      %dot_general3A_127 = arith.constant dense<0.000000e+00> : vector<32x512xf32>
      %dot_general3A_128 = tpu.matmul %div3A_120, %get3A_126, %dot_general3A_127 {dimension_numbers = #tpu.dot_dimension_numbers<[1], [0], [0], [1], [0, 0, 1, 1], [], []>, transpose_lhs_hint = false} : vector<32x512xf32>, vector<512x512xf32>, vector<32x512xf32> -> vector<32x512xf32>
      %dot_general3A_129 = arith.constant dense<0.000000e+00> : vector<32x512xf32>
      %dot_general3A_130 = tpu.matmul %get3A_123, %dot_general3A_128, %dot_general3A_129 {dimension_numbers = #tpu.dot_dimension_numbers<[1], [0], [0], [1], [0, 0, 1, 1], [], []>, transpose_lhs_hint = false} : vector<32x32xf32>, vector<32x512xf32>, vector<32x512xf32> -> vector<32x512xf32>
      %get3A_131 = arith.constant 0 : index
      %get3A_132 = arith.constant 0 : index
      %get3A_133 = vector.load %arg10[%get3A_131, %get3A_132] : memref<1x512xf32, #tpu.memory_space<vmem>>, vector<1x512xf32>
      %add3A_134 = vector.broadcast %get3A_133 : vector<1x512xf32> to vector<32x512xf32>
      %add3A_135 = arith.addf %dot_general3A_130, %add3A_134 : vector<32x512xf32>
      %get3A_136 = arith.constant 0 : index
      %get3A_137 = arith.constant 0 : index
      %get3A_138 = vector.load %arg11[%get3A_136, %get3A_137] : memref<1x512xf32, #tpu.memory_space<vmem>>, vector<1x512xf32>
      %get3A_139 = arith.constant 0 : index
      %get3A_140 = arith.constant 0 : index
      %get3A_141 = vector.load %arg12[%get3A_139, %get3A_140] : memref<1x512xf32, #tpu.memory_space<vmem>>, vector<1x512xf32>
      %reduce_sum3A_142 = arith.constant dense<0.000000e+00> : vector<32xf32>
      %reduce_sum3A_143 = vector.multi_reduction <add>, %add3A_135, %reduce_sum3A_142 [1] : vector<32x512xf32> to vector<32xf32>
      %broadcast_in_dim3A_144 = vector.shape_cast %reduce_sum3A_143 : vector<32xf32> to vector<32x1xf32>
      %div3A_145 = arith.constant 5.120000e+02 : f32
      %div3A_146 = vector.broadcast %div3A_145 : f32 to vector<32x1xf32>
      %div3A_147 = arith.divf %broadcast_in_dim3A_144, %div3A_146 : vector<32x1xf32>
      %sub3A_148 = vector.broadcast %div3A_147 : vector<32x1xf32> to vector<32x512xf32>
      %sub3A_149 = arith.subf %add3A_135, %sub3A_148 : vector<32x512xf32>
      %integer_pow3A_150 = arith.mulf %sub3A_149, %sub3A_149 : vector<32x512xf32>
      %reduce_sum3A_151 = arith.constant dense<0.000000e+00> : vector<32xf32>
      %reduce_sum3A_152 = vector.multi_reduction <add>, %integer_pow3A_150, %reduce_sum3A_151 [1] : vector<32x512xf32> to vector<32xf32>
      %broadcast_in_dim3A_153 = vector.shape_cast %reduce_sum3A_152 : vector<32xf32> to vector<32x1xf32>
      %div3A_154 = arith.constant 5.120000e+02 : f32
      %div3A_155 = vector.broadcast %div3A_154 : f32 to vector<32x1xf32>
      %div3A_156 = arith.divf %broadcast_in_dim3A_153, %div3A_155 : vector<32x1xf32>
      %sub3A_157 = vector.broadcast %div3A_147 : vector<32x1xf32> to vector<32x512xf32>
      %sub3A_158 = arith.subf %add3A_135, %sub3A_157 : vector<32x512xf32>
      %add3A_159 = arith.constant 9.99999974E-6 : f32
      %add3A_160 = vector.broadcast %add3A_159 : f32 to vector<32x1xf32>
      %add3A_161 = arith.addf %div3A_156, %add3A_160 : vector<32x1xf32>
      %rsqrt3A_162 = math.rsqrt %add3A_161 : vector<32x1xf32>
      %mul3A_163 = vector.broadcast %rsqrt3A_162 : vector<32x1xf32> to vector<32x512xf32>
      %mul3A_164 = arith.mulf %sub3A_158, %mul3A_163 : vector<32x512xf32>
      %mul3A_165 = vector.broadcast %get3A_138 : vector<1x512xf32> to vector<32x512xf32>
      %mul3A_166 = arith.mulf %mul3A_164, %mul3A_165 : vector<32x512xf32>
      %add3A_167 = vector.broadcast %get3A_141 : vector<1x512xf32> to vector<32x512xf32>
      %add3A_168 = arith.addf %mul3A_166, %add3A_167 : vector<32x512xf32>
      %ge3A_169 = arith.constant 0.000000e+00 : f32
      %ge3A_170 = vector.broadcast %ge3A_169 : f32 to vector<32x512xf32>
      %ge3A_171 = arith.cmpf oge, %add3A_168, %ge3A_170 : vector<32x512xf32>
      %mul3A_172 = arith.constant 0.00999999977 : f32
      %mul3A_173 = vector.broadcast %mul3A_172 : f32 to vector<32x512xf32>
      %mul3A_174 = arith.mulf %mul3A_173, %add3A_168 : vector<32x512xf32>
      %select_n3A_175 = arith.select %ge3A_171, %add3A_168, %mul3A_174 : vector<32x512xi1>, vector<32x512xf32>
      %get3A_176 = arith.constant 0 : index
      %get3A_177 = arith.constant 0 : index
      %get3A_178 = vector.load %arg13[%get3A_176, %get3A_177] : memref<512x512xf32, #tpu.memory_space<vmem>>, vector<512x512xf32>
      %dot_general3A_179 = arith.constant dense<0.000000e+00> : vector<32x512xf32>
      %dot_general3A_180 = tpu.matmul %select_n3A_175, %get3A_178, %dot_general3A_179 {dimension_numbers = #tpu.dot_dimension_numbers<[1], [0], [0], [1], [0, 0, 1, 1], [], []>, transpose_lhs_hint = false} : vector<32x512xf32>, vector<512x512xf32>, vector<32x512xf32> -> vector<32x512xf32>
      %dot_general3A_181 = arith.constant dense<0.000000e+00> : vector<32x512xf32>
      %dot_general3A_182 = tpu.matmul %get3A_123, %dot_general3A_180, %dot_general3A_181 {dimension_numbers = #tpu.dot_dimension_numbers<[1], [0], [0], [1], [0, 0, 1, 1], [], []>, transpose_lhs_hint = false} : vector<32x32xf32>, vector<32x512xf32>, vector<32x512xf32> -> vector<32x512xf32>
      %get3A_183 = arith.constant 0 : index
      %get3A_184 = arith.constant 0 : index
      %get3A_185 = vector.load %arg14[%get3A_183, %get3A_184] : memref<1x512xf32, #tpu.memory_space<vmem>>, vector<1x512xf32>
      %add3A_186 = vector.broadcast %get3A_185 : vector<1x512xf32> to vector<32x512xf32>
      %add3A_187 = arith.addf %dot_general3A_182, %add3A_186 : vector<32x512xf32>
      %get3A_188 = arith.constant 0 : index
      %get3A_189 = arith.constant 0 : index
      %get3A_190 = vector.load %arg15[%get3A_188, %get3A_189] : memref<1x512xf32, #tpu.memory_space<vmem>>, vector<1x512xf32>
      %get3A_191 = arith.constant 0 : index
      %get3A_192 = arith.constant 0 : index
      %get3A_193 = vector.load %arg16[%get3A_191, %get3A_192] : memref<1x512xf32, #tpu.memory_space<vmem>>, vector<1x512xf32>
      %reduce_sum3A_194 = arith.constant dense<0.000000e+00> : vector<32xf32>
      %reduce_sum3A_195 = vector.multi_reduction <add>, %add3A_187, %reduce_sum3A_194 [1] : vector<32x512xf32> to vector<32xf32>
      %broadcast_in_dim3A_196 = vector.shape_cast %reduce_sum3A_195 : vector<32xf32> to vector<32x1xf32>
      %div3A_197 = arith.constant 5.120000e+02 : f32
      %div3A_198 = vector.broadcast %div3A_197 : f32 to vector<32x1xf32>
      %div3A_199 = arith.divf %broadcast_in_dim3A_196, %div3A_198 : vector<32x1xf32>
      %sub3A_200 = vector.broadcast %div3A_199 : vector<32x1xf32> to vector<32x512xf32>
      %sub3A_201 = arith.subf %add3A_187, %sub3A_200 : vector<32x512xf32>
      %integer_pow3A_202 = arith.mulf %sub3A_201, %sub3A_201 : vector<32x512xf32>
      %reduce_sum3A_203 = arith.constant dense<0.000000e+00> : vector<32xf32>
      %reduce_sum3A_204 = vector.multi_reduction <add>, %integer_pow3A_202, %reduce_sum3A_203 [1] : vector<32x512xf32> to vector<32xf32>
      %broadcast_in_dim3A_205 = vector.shape_cast %reduce_sum3A_204 : vector<32xf32> to vector<32x1xf32>
      %div3A_206 = arith.constant 5.120000e+02 : f32
      %div3A_207 = vector.broadcast %div3A_206 : f32 to vector<32x1xf32>
      %div3A_208 = arith.divf %broadcast_in_dim3A_205, %div3A_207 : vector<32x1xf32>
      %sub3A_209 = vector.broadcast %div3A_199 : vector<32x1xf32> to vector<32x512xf32>
      %sub3A_210 = arith.subf %add3A_187, %sub3A_209 : vector<32x512xf32>
      %add3A_211 = arith.constant 9.99999974E-6 : f32
      %add3A_212 = vector.broadcast %add3A_211 : f32 to vector<32x1xf32>
      %add3A_213 = arith.addf %div3A_208, %add3A_212 : vector<32x1xf32>
      %rsqrt3A_214 = math.rsqrt %add3A_213 : vector<32x1xf32>
      %mul3A_215 = vector.broadcast %rsqrt3A_214 : vector<32x1xf32> to vector<32x512xf32>
      %mul3A_216 = arith.mulf %sub3A_210, %mul3A_215 : vector<32x512xf32>
      %mul3A_217 = vector.broadcast %get3A_190 : vector<1x512xf32> to vector<32x512xf32>
      %mul3A_218 = arith.mulf %mul3A_216, %mul3A_217 : vector<32x512xf32>
      %add3A_219 = vector.broadcast %get3A_193 : vector<1x512xf32> to vector<32x512xf32>
      %add3A_220 = arith.addf %mul3A_218, %add3A_219 : vector<32x512xf32>
      %ge3A_221 = arith.constant 0.000000e+00 : f32
      %ge3A_222 = vector.broadcast %ge3A_221 : f32 to vector<32x512xf32>
      %ge3A_223 = arith.cmpf oge, %add3A_220, %ge3A_222 : vector<32x512xf32>
      %mul3A_224 = arith.constant 0.00999999977 : f32
      %mul3A_225 = vector.broadcast %mul3A_224 : f32 to vector<32x512xf32>
      %mul3A_226 = arith.mulf %mul3A_225, %add3A_220 : vector<32x512xf32>
      %select_n3A_227 = arith.select %ge3A_223, %add3A_220, %mul3A_226 : vector<32x512xi1>, vector<32x512xf32>
      %add3A_228 = arith.addf %select_n3A_227, %div3A_120 : vector<32x512xf32>
      %get3A_229 = arith.constant 0 : index
      %get3A_230 = arith.constant 0 : index
      %get3A_231 = vector.load %arg17[%get3A_229, %get3A_230] : memref<512x128xf32, #tpu.memory_space<vmem>>, vector<512x128xf32>
      %dot_general3A_232 = arith.constant dense<0.000000e+00> : vector<32x128xf32>
      %dot_general3A_233 = tpu.matmul %add3A_228, %get3A_231, %dot_general3A_232 {dimension_numbers = #tpu.dot_dimension_numbers<[1], [0], [0], [1], [0, 0, 1, 1], [], []>, transpose_lhs_hint = false} : vector<32x512xf32>, vector<512x128xf32>, vector<32x128xf32> -> vector<32x128xf32>
      %get3A_234 = arith.constant 0 : index
      %get3A_235 = arith.constant 0 : index
      %get3A_236 = vector.load %arg18[%get3A_234, %get3A_235] : memref<1x128xf32, #tpu.memory_space<vmem>>, vector<1x128xf32>
      %add3A_237 = vector.broadcast %get3A_236 : vector<1x128xf32> to vector<32x128xf32>
      %add3A_238 = arith.addf %dot_general3A_233, %add3A_237 : vector<32x128xf32>
      %swap3A_239 = arith.constant 0 : index
      %swap3A_240 = arith.constant 0 : index
      %swap3A_241 = vector.load %arg21[%swap3A_239, %swap3A_240] : memref<32x128xf32, #tpu.memory_space<vmem>>, vector<32x128xf32>
      tpu.vector_store %arg21[%swap3A_239, %swap3A_240], %add3A_238 {strides = array<i32>} : memref<32x128xf32, #tpu.memory_space<vmem>>, vector<32x128xf32>,
    } else {
    }
    return
  }
  func.func @transform_0(%arg0: i32) -> (i32, i32, i32) {
    %c0_i32 = arith.constant 0 : i32
    %c0_i32_0 = arith.constant 0 : i32
    %c0_i32_1 = arith.constant 0 : i32
    return %c0_i32, %arg0, %c0_i32_0 : i32, i32, i32
  }
  func.func @transform_1(%arg0: i32) -> (i32, i32) {
    %c0_i32 = arith.constant 0 : i32
    %c0_i32_0 = arith.constant 0 : i32
    return %arg0, %c0_i32 : i32, i32
  }
  func.func @transform_2(%arg0: i32) -> (i32, i32, i32) {
    %c0_i32 = arith.constant 0 : i32
    %c0_i32_0 = arith.constant 0 : i32
    %c0_i32_1 = arith.constant 0 : i32
    return %c0_i32, %arg0, %c0_i32_0 : i32, i32, i32
  }
  func.func @transform_3(%arg0: i32) -> (i32, i32) {
    %c0_i32 = arith.constant 0 : i32
    %c0_i32_0 = arith.constant 0 : i32
    %c0_i32_1 = arith.constant 0 : i32
    return %c0_i32, %c0_i32_0 : i32, i32
  }
  func.func @transform_4(%arg0: i32) -> (i32, i32) {
    %c0_i32 = arith.constant 0 : i32
    %c0_i32_0 = arith.constant 0 : i32
    %c0_i32_1 = arith.constant 0 : i32
    return %c0_i32, %c0_i32_0 : i32, i32
  }
  func.func @transform_5(%arg0: i32) -> (i32, i32) {
    %c0_i32 = arith.constant 0 : i32
    %c0_i32_0 = arith.constant 0 : i32
    %c0_i32_1 = arith.constant 0 : i32
    return %c0_i32, %c0_i32_0 : i32, i32
  }
  func.func @transform_6(%arg0: i32) -> (i32, i32) {
    %c0_i32 = arith.constant 0 : i32
    %c0_i32_0 = arith.constant 0 : i32
    return %c0_i32, %arg0 : i32, i32
  }
  func.func @transform_7(%arg0: i32) -> (i32, i32) {
    %c0_i32 = arith.constant 0 : i32
    %c0_i32_0 = arith.constant 0 : i32
    %c0_i32_1 = arith.constant 0 : i32
    return %c0_i32, %c0_i32_0 : i32, i32
  }
  func.func @transform_8(%arg0: i32) -> (i32, i32) {
    %c0_i32 = arith.constant 0 : i32
    %c0_i32_0 = arith.constant 0 : i32
    %c0_i32_1 = arith.constant 0 : i32
    return %c0_i32, %c0_i32_0 : i32, i32
  }
  func.func @transform_9(%arg0: i32) -> (i32, i32) {
    %c0_i32 = arith.constant 0 : i32
    %c0_i32_0 = arith.constant 0 : i32
    %c0_i32_1 = arith.constant 0 : i32
    return %c0_i32, %c0_i32_0 : i32, i32
  }
  func.func @transform_10(%arg0: i32) -> (i32, i32) {
    %c0_i32 = arith.constant 0 : i32
    %c0_i32_0 = arith.constant 0 : i32
    %c0_i32_1 = arith.constant 0 : i32
    return %c0_i32, %c0_i32_0 : i32, i32
  }
  func.func @transform_11(%arg0: i32) -> (i32, i32) {
    %c0_i32 = arith.constant 0 : i32
    %c0_i32_0 = arith.constant 0 : i32
    %c0_i32_1 = arith.constant 0 : i32
    return %c0_i32, %c0_i32_0 : i32, i32
  }
  func.func @transform_12(%arg0: i32) -> (i32, i32) {
    %c0_i32 = arith.constant 0 : i32
    %c0_i32_0 = arith.constant 0 : i32
    %c0_i32_1 = arith.constant 0 : i32
    return %c0_i32, %c0_i32_0 : i32, i32
  }
  func.func @transform_13(%arg0: i32) -> (i32, i32) {
    %c0_i32 = arith.constant 0 : i32
    %c0_i32_0 = arith.constant 0 : i32
    %c0_i32_1 = arith.constant 0 : i32
    return %c0_i32, %c0_i32_0 : i32, i32
  }
  func.func @transform_14(%arg0: i32) -> (i32, i32) {
    %c0_i32 = arith.constant 0 : i32
    %c0_i32_0 = arith.constant 0 : i32
    %c0_i32_1 = arith.constant 0 : i32
    return %c0_i32, %c0_i32_0 : i32, i32
  }
  func.func @transform_15(%arg0: i32) -> (i32, i32) {
    %c0_i32 = arith.constant 0 : i32
    %c0_i32_0 = arith.constant 0 : i32
    %c0_i32_1 = arith.constant 0 : i32
    return %c0_i32, %c0_i32_0 : i32, i32
  }
  func.func @transform_16(%arg0: i32) -> (i32, i32) {
    %c0_i32 = arith.constant 0 : i32
    %c0_i32_0 = arith.constant 0 : i32
    %c0_i32_1 = arith.constant 0 : i32
    return %c0_i32, %c0_i32_0 : i32, i32
  }
  func.func @transform_17(%arg0: i32) -> (i32, i32) {
    %c0_i32 = arith.constant 0 : i32
    %c0_i32_0 = arith.constant 0 : i32
    %c0_i32_1 = arith.constant 0 : i32
    return %c0_i32, %c0_i32_0 : i32, i32
  }
  func.func @transform_18(%arg0: i32) -> (i32, i32) {
    %c0_i32 = arith.constant 0 : i32
    %c0_i32_0 = arith.constant 0 : i32
    %c0_i32_1 = arith.constant 0 : i32
    return %c0_i32, %c0_i32_0 : i32, i32
  }
  func.func @transform_19(%arg0: i32) -> (i32, i32) {
    %c0_i32 = arith.constant 0 : i32
    %c0_i32_0 = arith.constant 0 : i32
    %c0_i32_1 = arith.constant 0 : i32
    return %c0_i32, %c0_i32_0 : i32, i32
  }
  func.func @transform_20(%arg0: i32) -> (i32, i32) {
    %c0_i32 = arith.constant 0 : i32
    %c0_i32_0 = arith.constant 0 : i32
    %c0_i32_1 = arith.constant 0 : i32
    return %c0_i32, %c0_i32_0 : i32, i32
  }
}

</mosaic_0001>

<sc_bundles>
// kernel: kernel.11.cloned.1.call-start
scs
__scs_entry_jumppad:
0x0: {  	(pc) =	sbr.rel $0x88, $3  }
0x1: {  	(tag) =	ssettag $0x0;
	lr =	simm.s32 $0x1  }
0x2: {  	[smem:$0x3F8C] =	sst lr;
	_ =	strace $0xD0000000  }
0x3: {  	_ = 	snop  }
0x4: {  	_ = 	snop  }
0x5: {  	_ = 	snop  }
0x6: {  	_ = 	snop  }
0x7: {  	_ = 	snop  }
__scs_overlays_trampoline_lowered:
0x8: {  	[smem:$0x3F9B] =	sst s0  }
0x9: {  	[smem:$0x3F9C] =	sst s1  }
0xa: {  	[smem:$0x3F9D] =	sst s2  }
0xb: {  	[smem:$0x3F9E] =	sst s3  }
0xc: {  	[smem:$0x3F9F] =	sst s4  }
0xd: {  	[smem:$0x3FA0] =	sst s5  }
0xe: {  	[smem:$0x3FA1] =	sst s6  }
0xf: {  	[smem:$0x3FA2] =	sst s7  }
0x10: {  	[smem:$0x3FA3] =	sst s8  }
0x11: {  	[smem:$0x3FA4] =	sst s9;
	s0 =	simm.s32 @!p0 $0x0  }
0x12: {  	s1 =	sld [smem:$0x3F8A];
	s0 =	simm.s32 @p0 $0x1  }
0x13: {  	[smem:$0x3FA5] =	sst s0;
	s0 =	simm.s32 @!p1 $0x0  }
0x14: {  	s2 =	sld [smem:$0x3F89];
	s0 =	simm.s32 @p1 $0x1  }
0x15: {  	[smem:$0x3FA6] =	sst s0;
	s0 =	simm.s32 @!p2 $0x0  }
0x16: {  	s3 =	sld [smem:$0x3FDB];
	s0 =	simm.s32 @p2 $0x1  }
0x17: {  	s4 =	simm.s32 $0x1BF5;
	[smem:$0x3FA8] =	sst s0  }
0x18: {  	s0 =	sld [smem:$0x3F8B];
	_ =	swait.ge [sflag:s4], $0x0  }
0x19: {  	s7 =	sld [smem:$0x3F8C]  }
0x1a: {  	s8 =	sadd.s32 $0xFFFFE003, lr  }
0x1b: {  	s9 =	sadd.s32 $0xFFFFFEF7, lr;
	s5 =	simm.s32 $0xFFFFFFFF;
	p2 =	slt.u32 s8, $0xFFFFF086  }
0x1c: {  	p1 =	slt.u32 s9, $0xF7A;
	s5 =	simm.s32 @!p2 $0x0  }
0x1d: {  	s5 =	simm.s32 @p1 $0x1;
	p0 =	seq.s32 s7, s2  }
0x1e: {  	s7 =	smul.u32 @!p0 $0xF7A, s2;
	p2 =	seq.s32 @!p0 s5, $0x0  }
0x1f: {  	s9 =	smul.u32 $0xF7A, s1;
	s8 =	simm.s32 @!p0 $0x1BF5;
	p2 =	por !p2, p0  }
0x20: {  	[sflag:s8] =	ssyncset.s32 @!p0 $0xFFFFF086;
	s6 =	sadd.s32 @!p0 s3, s7;
	s7 =	simm.s32 @!p0 $0x108  }
0x21: {  	s3 =	sadd.s32 s3, s9;
	s6 =	sadd.s32 @!p0 $0x88, s6;
	s7 =	simm.s32 @p2 $0x1082  }
0x22: {  	[simem:s7], [sflag:s8] =	dma.local @!p0 [hbm:s6], $0xF7A  }
0x23: {  	s9 =	sor.u32 $0xD0000000, s2;
	s6 =	simm.s32 $0x108;
	_ =	swait.ge @!p0 [sflag:s8], $0x0  }
0x24: {  	s3 =	sadd.s32 $0x88, s3;
	s6 =	simm.s32 @!p1 $0x1082;
	[sflag:s4] =	ssyncset.s32 $0xFFFFF086  }
0x25: {  	[simem:s6], [sflag:s4] =	dma.local [hbm:s3], $0xF7A  }
0x26: {  	[smem:$0x3F8C] =	sst s1;
	(tag) =	ssettag s2;
	_ =	strace s9  }
0x27: {  	s1 =	sld [smem:$0x3F9C]  }
0x28: {  	s2 =	sld [smem:$0x3F9D]  }
0x29: {  	s4 =	sld [smem:$0x3F9F]  }
0x2a: {  	p0 =	seq.s32 s5, $0x0;
	s5 =	sld [smem:$0x3FA0]  }
0x2b: {  	s6 =	sld [smem:$0x3FA1]  }
0x2c: {  	s7 =	sld [smem:$0x3FA2]  }
0x2d: {  	s3 =	simm.s32 $0x108;
	s8 =	sld [smem:$0x3FA3]  }
0x2e: {  	s3 =	simm.s32 @!p0 $0x1082;
	s9 =	sld [smem:$0x3FA4]  }
0x2f: {  	lr =	sadd.s32 s0, s3;
	s0 =	sld [smem:$0x3F9B]  }
0x30: {  	s3 =	sld [smem:$0x3F9E]  }
0x31: {  	[smem:$0x3FA7] =	sst s10  }
0x32: {  	s10 =	sld [smem:$0x3FA5];
	_ =	sdelay $0x3  }
0x33: {  	p0 =	seq.s32 s10, $0x1;
	s10 =	sld [smem:$0x3FA7];
	_ =	sdelay $0x3  }
0x34: {  	[smem:$0x3FA7] =	sst s10  }
0x35: {  	s10 =	sld [smem:$0x3FA6];
	_ =	sdelay $0x3  }
0x36: {  	p1 =	seq.s32 s10, $0x1;
	s10 =	sld [smem:$0x3FA7];
	_ =	sdelay $0x3  }
0x37: {  	[smem:$0x3FA7] =	sst s10  }
0x38: {  	s10 =	sld [smem:$0x3FA8]  }
0x39: {  	_ = 	snop;
	(pc) =	sbr.ind lr, $3  }
0x3a: {  	_ = 	snop  }
0x3b: {  	_ = 	snop  }
0x3c: {  	p2 =	seq.s32 s10, $0x1;
	s10 =	sld [smem:$0x3FA7]  }
0x3d: {  	_ =	shalt  }
0x3e: {  	_ =	shalt  }
0x3f: {  	_ =	shalt  }
0x40: {  	_ =	shalt  }
0x41: {  	_ =	shalt  }
0x42: {  	_ =	shalt  }
0x43: {  	_ =	shalt  }
0x44: {  	_ =	shalt  }
0x45: {  	_ =	shalt  }
0x46: {  	_ =	shalt  }
0x47: {  	_ =	shalt  }
0x48: {  	_ =	shalt  }
0x49: {  	_ =	shalt  }
0x4a: {  	_ =	shalt  }
0x4b: {  	_ =	shalt  }
0x4c: {  	_ =	shalt  }
0x4d: {  	_ =	shalt  }
0x4e: {  	_ =	shalt  }
0x4f: {  	_ =	shalt  }
0x50: {  	_ =	shalt  }
0x51: {  	_ =	shalt  }
0x52: {  	_ =	shalt  }
0x53: {  	_ =	shalt  }
0x54: {  	_ =	shalt  }
0x55: {  	_ =	shalt  }
0x56: {  	_ =	shalt  }
0x57: {  	_ =	shalt  }
0x58: {  	_ =	shalt  }
0x59: {  	_ =	shalt  }
0x5a: {  	_ =	shalt  }
0x5b: {  	_ =	shalt  }
0x5c: {  	_ =	shalt  }
0x5d: {  	_ =	shalt  }
0x5e: {  	_ =	shalt  }
0x5f: {  	_ =	shalt  }
0x60: {  	_ =	shalt  }
0x61: {  	_ =	shalt  }
0x62: {  	_ =	shalt  }
0x63: {  	_ =	shalt  }
0x64: {  	_ =	shalt  }
0x65: {  	_ =	shalt  }
0x66: {  	_ =	shalt  }
0x67: {  	_ =	shalt  }
0x68: {  	_ =	shalt  }
0x69: {  	_ =	shalt  }
0x6a: {  	_ =	shalt  }
0x6b: {  	_ =	shalt  }
0x6c: {  	_ =	shalt  }
0x6d: {  	_ =	shalt  }
0x6e: {  	_ =	shalt  }
0x6f: {  	_ =	shalt  }
0x70: {  	_ =	shalt  }
0x71: {  	_ =	shalt  }
0x72: {  	_ =	shalt  }
0x73: {  	_ =	shalt  }
0x74: {  	_ =	shalt  }
0x75: {  	_ =	shalt  }
0x76: {  	_ =	shalt  }
0x77: {  	_ =	shalt  }
0x78: {  	_ =	shalt  }
0x79: {  	_ =	shalt  }
0x7a: {  	_ =	shalt  }
0x7b: {  	_ =	shalt  }
0x7c: {  	_ =	shalt  }
0x7d: {  	_ =	shalt  }
0x7e: {  	_ =	shalt  }
0x7f: {  	_ =	shalt  }
0x80: {  	_ =	shalt  }
0x81: {  	_ =	shalt  }
0x82: {  	_ =	shalt  }
0x83: {  	_ =	shalt  }
0x84: {  	_ =	shalt  }
0x85: {  	_ =	shalt  }
0x86: {  	_ =	shalt  }
0x87: {  	_ =	shalt  }
.Lfunc_end0:
.L_simem_size_0:
called_computation.1_lowered:
.L_overlay_start_0:
0x88: {  	s2 =	sld [smem:$0x3FD9]  }
0x89: {  	s3 =	sld [smem:$0x3FFE];
	_ =	sdelay $0x1  }
0x8a: {  	s1 =	srdreg.scid  }
0x8b: {  	s0 =	sand.u32 $0x1, s1  }
0x8c: {  	s16 =	sshll.u32 s0, $0xA;
	s2 =	sadd.s32 s3, s2  }
0x8d: {  	s2 =	sadd.s32 s2, s16  }
0x8e: {  	[smem:$0x3FB3] =	sst s2  }
0x8f: {  	_ = 	snop  }
0x90: {  	(tm) =	ssettm $0x1  }
0x91: {  	s17 =	sld [smem:$0x3FFB];
	_ =	sdelay $0x3  }
0x92: {  	_ =	strace s17  }
0x93: {  	s2 =	sld [smem:$0x3FFC];
	_ =	sdelay $0x3  }
0x94: {  	_ =	strace s2  }
0x95: {  	s2 =	sld [smem:$0x3FFD];
	_ =	sdelay $0x3  }
0x96: {  	_ =	strace s2  }
0x97: {  	_ =	strace $0x8FFFFFFF  }
0x98: {  	s18 =	sld [smem:$0x3FDB];
	_ =	sdelay $0x1  }
0x99: {  	s19 =	simm.s32 $_scs_section_size  }
0x9a: {  	s4 =	simm.s32 $_size__tile_overlayer_lowered;
	s5 =	simm.s32 $_tile_overlayer_lowered  }
0x9b: {  	s22 =	simm.s32 $0x1BFF;
	s21 =	sshll.u32 s5, $0x1;
	s2 =	sadd.s32 s19, s18  }
0x9c: {  	s6 =	simm.s32 $0x0;
	s20 =	sshll.u32 s4, $0x1;
	s4 =	sadd.s32 s21, s2  }
0x9d: {  	[timem:s6], [sflag:s22] =	dma.local [hbm:s4], s20  }
0x9e: {  	_ =	swait.ge [sflag:s22], s20  }
0x9f: {  	s3 =	ssub.s32 $0x0, s20;
	[sflag:s22] =	ssyncset.done $0x0  }
0xa0: {  	[sflag:s22] =	ssyncadd.s32 s3;
	_ =	sdelay $0x1  }
0xa1: {  	s23 =	simm.s32 $0x1B8B  }
0xa2: {  	_ =	swait.ge [sflag:s23], $0x1  }
0xa3: {  	[sflag:s23] =	ssyncset.done $0x0  }
0xa4: {  	s25 =	simm.s32 $0x1B8E;
	s24 =	sld [smem:$0x3FFE];
	[sflag:s23] =	ssyncadd.s32 $0xFFFFFFFF  }
0xa5: {  	s26 =	simm.s32 $execute0_lowered;
	[smem:$0x3FD2] =	sst s25  }
0xa6: {  	s4 =	sshll.u32 s26, $0x1;
	_ =	strace $0x80000049;
	[dreg:$0x1] =	wrdreg $0xFFFFFFFF  }
0xa7: {  	s28 =	simm.s32 $_size_execute0_lowered;
	s2 =	sadd.s32 s2, s4;
	[dreg:$0x0] =	wrdreg $0x0  }
0xa8: {  	s4 =	sshll.u32 s28, $0x1;
	[dreg:$0x2] =	wrdreg s2  }
0xa9: {  	[dreg:$0x3] =	wrdreg s4  }
0xaa: {  	[dreg:$0x4] =	wrdreg $0xC0  }
0xab: {  	_ =	task [dreg:s6], $0x5FFFF  }
0xac: {  	[dreg:$0x1] =	wrdreg $0xFFFFFFFF  }
0xad: {  	[dreg:$0x0] =	wrdreg $0x60  }
0xae: {  	[dreg:$0x2] =	wrdreg s24  }
0xaf: {  	[dreg:$0x3] =	wrdreg $0x90000  }
0xb0: {  	[dreg:$0x4] =	wrdreg $0x9  }
0xb1: {  	_ =	task.clear_ibuf [dreg:s6], $0x5FFFF;
	_ =	strace $0x90000049  }
0xb2: {  	s29 =	simm.s32 $0x9;
	_ =	strace $0x8000004B  }
0xb3: {  	_ =	swait.ge [sflag:s29], $0x1  }
0xb4: {  	[sflag:s29] =	ssyncadd.s32 $0xFFFFFFFF  }
0xb5: {  	_ =	strace $0x9000004B  }
0xb6: {  	_ =	sfence  }
0xb7: {  	s30 =	sld [smem:$0x0];
	_ =	sdelay $0x2  }
0xb8: {  	s31 =	sshll.u32 s1, $0xD;
	s1 =	sshrl.u32 s1, $0x2  }
0xb9: {  	s3 =	sand.u32 $0x4000, s31;
	s1 =	sadd.s32 s1, s30  }
0xba: {  	s0 =	sor.u32 s3, s0;
	s1 =	sshll.u32 s1, $0x11  }
0xbb: {  	s0 =	sor.u32 s1, s0  }
0xbc: {  	s0 =	sadd.s32 $0x8F2B, s0  }
0xbd: {  	[sflag:s0] =	ssyncadd.remote.s32 $0x1  }
0xbe: {  	_ =	sfence.sel $0xFFFF  }
0xbf: {  	[dreg:$0x0] =	wrdreg $0xFFFFFFFF;
	(pc) =	sbr.abs _section_cstart, $3  }
0xc0: {  	[dreg:$0x1] =	wrdreg $0xFFFFFFFF  }
0xc1: {  	_ =	task.clear_ibuf [dreg:s6], $0x2FFFF;
	_ =	strace $0x9FFFFFFF  }
0xc2: {  	(tm) =	ssettm $0x7FFFFFFF  }
0xc3: {  	_ =	shalt  }
tec
execute0_lowered:
.L_overlay_start_1:
0x0: {  	(tag) =	ssettag $0x1  }
0x1: {  	s6 =	rddreg [dreg:$0x0];
	s1 =	srdreg.scid  }
0x2: {  	s0 =	stileid.u32;
	s2 =	rddreg [dreg:$0x1]  }
0x3: {  	s3 =	simm.s32 $0x0;
	s18 =	simm.s32 $0x80;
	s4 =	smul.u32 $0x2800, s0  }
0x4: {  	s19 =	simm.s32 $0x5000;
	s20 =	simm.s32 $0x0;
	s10 =	smul.u32 $0x14000, s0  }
0x5: {  	s5 =	sand.u32 $0x1, s1;
	s1 =	rddreg [dreg:$0x2];
	s11 =	smul.u32 $0x50000, s0  }
0x6: {  	[smem:$0x7FF] =	sst s3;
	s31 =	sshll.u32 s0, $0x6;
	s7 =	smul.u32 $0x28000, s5  }
0x7: {  	_ =	strace $0x8000004A;
	s8 =	smul.u32 $0x140000, s5;
	s30 =	ssub.s32 $0x2, s5  }
0x8: {  	s5 =	sadd.s32 $0x9600, s6;
	s9 =	sshrl.u32 s4, $0x3;
	s12 =	sshrl.u32 s30, $0x1  }
0x9: {  	s11 =	sshrl.u32 s11, $0x2;
	s7 =	sadd.s32 s4, s7;
	s4 =	sadd.s32 $0x64600, s6  }
0xa: {  	s9 =	sadd.s32 s9, s6;
	s8 =	sadd.s32 s10, s8;
	s10 =	ssub.s32 s30, s12  }
0xb: {  	s13 =	sadd.s32 s11, s2;
	s11 =	simm.s32 $0x1;
	s12 =	sor.u32 $0x1C01, s31  }
0xc: {  	s7 =	sshrl.u32 s7, $0x3;
	s8 =	sshrl.u32 s8, $0x3;
	s14 =	sadd.s32 $0x4000, s13  }
0xd: {  	s15 =	sadd.s32 $0x8000, s13;
	s16 =	sadd.s32 $0xC000, s13;
	s17 =	sadd.s32 $0x10000, s13  }
0xe: {  	s13 =	sshrl.u32 s13, $0x3;
	s7 =	sadd.s32 s7, s6;
	s8 =	sadd.s32 s8, s6  }
0xf: {  	s6 =	sadd.s32 $0x4600, s9;
	s9 =	smax.u32 s10, $0x1;
	s10 =	simm.s32 $0x2800  }
0x10: {  	s14 =	sshrl.u32 s14, $0x3;
	s15 =	sshrl.u32 s15, $0x3;
	s16 =	sshrl.u32 s16, $0x3  }
0x11: {  	s17 =	sshrl.u32 s17, $0x3;
	s7 =	sadd.s32 $0x5A600, s7;
	s8 =	sadd.s32 $0xB4600, s8  }
.LBB2_1:
0x12: {  	[tilespmem:s10], [sflag:$0x1] =	stream.linear.gather [hbm4b:s6+s3], $0x2800, $0x38;
	[tilespmem:$0x1D000] =	vst v63  }
0x13: {  	_ =	swait.ge [sflag:s11], $0x2800  }
0x14: {  	[sflag:s11] =	ssyncset.done $0x0  }
0x15: {  	[sflag:s11] =	ssyncadd.s32 $0xFFFFD800  }
0x16: {  	[tilespmem:s3], [sflag:$0x1] =	stream.linear.gather [hbm4b:s7+s3], $0x2800, $0x38;
	[tilespmem:$0x1D000] =	vst v63  }
0x17: {  	_ =	swait.ge [sflag:s11], $0x2800  }
0x18: {  	[sflag:s11] =	ssyncset.done $0x0  }
0x19: {  	[sflag:s11] =	ssyncadd.s32 $0xFFFFD800  }
0x1a: {  	[spmem:s13], [sflag:s12] =	dma.local [hbm:s5], $0x800  }
0x1b: {  	_ =	swait.ge [sflag:s11], $0x800  }
0x1c: {  	[sflag:s11] =	ssyncset.done $0x0  }
0x1d: {  	[sflag:s11] =	ssyncadd.s32 $0xFFFFF800  }
0x1e: {  	[spmem:s14], [sflag:s12] =	dma.local [hbm:s5], $0x800  }
0x1f: {  	_ =	swait.ge [sflag:s11], $0x800  }
0x20: {  	[sflag:s11] =	ssyncset.done $0x0  }
0x21: {  	[sflag:s11] =	ssyncadd.s32 $0xFFFFF800  }
0x22: {  	[spmem:s15], [sflag:s12] =	dma.local [hbm:s5], $0x800  }
0x23: {  	_ =	swait.ge [sflag:s11], $0x800  }
0x24: {  	[sflag:s11] =	ssyncset.done $0x0  }
0x25: {  	[sflag:s11] =	ssyncadd.s32 $0xFFFFF800  }
0x26: {  	[spmem:s16], [sflag:s12] =	dma.local [hbm:s5], $0x800  }
0x27: {  	_ =	swait.ge [sflag:s11], $0x800  }
0x28: {  	[sflag:s11] =	ssyncset.done $0x0  }
0x29: {  	[sflag:s11] =	ssyncadd.s32 $0xFFFFF800  }
0x2a: {  	[spmem:s17], [sflag:s12] =	dma.local [hbm:s5], $0x800  }
0x2b: {  	_ =	swait.ge [sflag:s11], $0x800  }
0x2c: {  	[sflag:s11] =	ssyncset.done $0x0  }
0x2d: {  	[sflag:s11] =	ssyncadd.s32 $0xFFFFF800  }
0x2e: {  	s21 =	simm.s32 $0x0;
	[bflag:$0x0] =	sbarrier.arrive $0xFFFF  }
0x2f: {  	[tilespmem:s19], [sflag:$0x1] =	stream.indirect.gather [hbm4b:s4+s18], $0x80, s21, s18, $0xb8;
	[tilespmem:$0x1D000] =	vst v63  }
0x30: {  	_ =	swait.ge [sflag:s11], $0x4000  }
0x31: {  	[sflag:s11] =	ssyncset.done $0x0  }
0x32: {  	s31 =	simm.s32 $0x2800;
	[sflag:s11] =	ssyncadd.s32 $0xFFFFC000  }
0x33: {  	[spmem:s2] =	stream.indirect.scatter.add.f32 [tilespmem:s19], [sflag:$0x1], $0x80, s31, s18, $0xb8;
	[tilespmem:$0x1D000] =	vst v63  }
0x34: {  	_ =	swait.ge [sflag:s11], $0x4000  }
0x35: {  	s22 =	simm.s32 $0x400;
	s21 =	simm.s32 $0x200;
	[sflag:s11] =	ssyncset.done $0x0  }
.LBB2_2:
0x36: {  	s23 =	sshra.s32 s21, $0x2  }
0x37: {  	[sflag:s11] =	ssyncadd.s32 $0xFFFFC000;
	s21 =	smov.u32 s22;
	s24 =	sadd.s32 $0x200, s22  }
0x38: {  	[tilespmem:s19], [sflag:$0x1] =	stream.indirect.gather [hbm4b:s4+s18], $0x80, s23, s18, $0xb8;
	[tilespmem:$0x1D000] =	vst v63  }
0x39: {  	p0 =	sne.s32 s22, $0x9E00;
	_ =	swait.ge [sflag:s11], $0x4000  }
.Ltmp0:
0x3a: {  	[sflag:s11] =	ssyncset.done $0x0;
	(pc) =	sbr.rel @p0 .LBB2_2-.Ltmp0, $4  }
0x3b: {  	s22 =	sadd.s32 $0x2800, s23;
	[sflag:s11] =	ssyncadd.s32 $0xFFFFC000  }
0x3c: {  	[spmem:s2] =	stream.indirect.scatter.add.f32 [tilespmem:s19], [sflag:$0x1], $0x80, s22, s18, $0xb8;
	[tilespmem:$0x1D000] =	vst v63  }
0x3d: {  	_ =	swait.ge [sflag:s11], $0x4000  }
0x3e: {  	s22 =	smov.u32 s24;
	[sflag:s11] =	ssyncset.done $0x0  }
0x3f: {  	s21 =	sshra.s32 s21, $0x2;
	[sflag:s11] =	ssyncadd.s32 $0xFFFFC000  }
0x40: {  	[tilespmem:s19], [sflag:$0x1] =	stream.indirect.gather [hbm4b:s4+s18], $0x80, s21, s18, $0xb8;
	[tilespmem:$0x1D000] =	vst v63  }
0x41: {  	_ =	swait.ge [sflag:s11], $0x4000  }
0x42: {  	[sflag:s11] =	ssyncset.done $0x0  }
0x43: {  	s21 =	sadd.s32 $0x2800, s21;
	[sflag:s11] =	ssyncadd.s32 $0xFFFFC000  }
0x44: {  	[spmem:s2] =	stream.indirect.scatter.add.f32 [tilespmem:s19], [sflag:$0x1], $0x80, s21, s18, $0xb8;
	[tilespmem:$0x1D000] =	vst v63  }
0x45: {  	_ =	swait.ge [sflag:s11], $0x4000  }
0x46: {  	s20 =	sadd.s32 $0x1, s20;
	[sflag:s11] =	ssyncset.done $0x0  }
0x47: {  	p0 =	sne.s32 s20, s9;
	[sflag:s11] =	ssyncadd.s32 $0xFFFFC000  }
.Ltmp1:
0x48: {  	[bflag:$0x0] =	sbarrier.arrive $0xFFFF;
	(pc) =	sbr.rel @p0 .LBB2_1-.Ltmp1, $4  }
0x49: {  	[hbm:s8], [sflag:s12] =	dma.local [spmem:s13], $0x2800  }
0x4a: {  	_ =	swait.ge [sflag:s11], $0x2800  }
0x4b: {  	[sflag:s11] =	ssyncset.done $0x0  }
0x4c: {  	[sflag:s11] =	ssyncadd.s32 $0xFFFFD800  }
0x4d: {  	_ =	sfence.sel $0x180000  }
0x4e: {  	[bflag:$0x0] =	sbarrier.arrive $0xFFFF  }
0x4f: {  	p0 =	sne.s32 s0, $0x0;
	_ =	strace $0x9000004A  }
0x50: {  	s0 =	sadd.s32 @!p0 $0x100000, s1;
	[bflag:$0x2] =	sbarrier.arrive $0xFFFF  }
0x51: {  	[sflag:s0] =	ssyncadd.tile.s32 @!p0 $0x1;
	_ =	shalt  }
.Lfunc_end2:
_tile_overlayer_lowered:
.L_overlay_start_2:
0x52: {  	(tag) =	ssettag $0x2  }
0x53: {  	s0 =	rddreg [dreg:$0x0];
	s2 =	stileid.u32  }
0x54: {  	s1 =	rddreg [dreg:$0x1];
	p0 =	sne.s32 s2, $0x0  }
0x55: {  	s3 =	rddreg [dreg:$0x2];
	[bflag:$0x3] =	sbarrier.arrive $0xFFFF;
	s2 =	simm.s32 @!p0 $0x1C01  }
0x56: {  	[timem:s3], [sflag:s2] =	dma.local @!p0 [hbm:s0], s1  }
0x57: {  	s0 =	simm.s32 @!p0 $0x1  }
0x58: {  	_ =	swait.ge @!p0 [sflag:s0], s1  }
0x59: {  	s1 =	ssub.s32 @!p0 $0x0, s1;
	[sflag:s0] =	ssyncset.done @!p0 $0x0  }
0x5a: {  	[sflag:s0] =	ssyncadd.s32 @!p0 s1  }
0x5b: {  	[bflag:$0x3] =	sbarrier.arrive $0xFFFF  }
0x5c: {  	_ =	shalt  }

// kernel: kernel.14.cloned.1.call-start
scs
__scs_entry_jumppad:
0x0: {  	(pc) =	sbr.rel $0x88, $3  }
0x1: {  	(tag) =	ssettag $0x0;
	lr =	simm.s32 $0x1  }
0x2: {  	[smem:$0x3F8C] =	sst lr;
	_ =	strace $0xD0000000  }
0x3: {  	_ = 	snop  }
0x4: {  	_ = 	snop  }
0x5: {  	_ = 	snop  }
0x6: {  	_ = 	snop  }
0x7: {  	_ = 	snop  }
__scs_overlays_trampoline_lowered:
0x8: {  	[smem:$0x3F9B] =	sst s0  }
0x9: {  	[smem:$0x3F9C] =	sst s1  }
0xa: {  	[smem:$0x3F9D] =	sst s2  }
0xb: {  	[smem:$0x3F9E] =	sst s3  }
0xc: {  	[smem:$0x3F9F] =	sst s4  }
0xd: {  	[smem:$0x3FA0] =	sst s5  }
0xe: {  	[smem:$0x3FA1] =	sst s6  }
0xf: {  	[smem:$0x3FA2] =	sst s7  }
0x10: {  	[smem:$0x3FA3] =	sst s8  }
0x11: {  	[smem:$0x3FA4] =	sst s9;
	s0 =	simm.s32 @!p0 $0x0  }
0x12: {  	s1 =	sld [smem:$0x3F8A];
	s0 =	simm.s32 @p0 $0x1  }
0x13: {  	[smem:$0x3FA5] =	sst s0;
	s0 =	simm.s32 @!p1 $0x0  }
0x14: {  	s2 =	sld [smem:$0x3F89];
	s0 =	simm.s32 @p1 $0x1  }
0x15: {  	[smem:$0x3FA6] =	sst s0;
	s0 =	simm.s32 @!p2 $0x0  }
0x16: {  	s3 =	sld [smem:$0x3FDB];
	s0 =	simm.s32 @p2 $0x1  }
0x17: {  	s4 =	simm.s32 $0x1BF5;
	[smem:$0x3FA8] =	sst s0  }
0x18: {  	s0 =	sld [smem:$0x3F8B];
	_ =	swait.ge [sflag:s4], $0x0  }
0x19: {  	s7 =	sld [smem:$0x3F8C]  }
0x1a: {  	s8 =	sadd.s32 $0xFFFFE003, lr  }
0x1b: {  	s9 =	sadd.s32 $0xFFFFFEF7, lr;
	s5 =	simm.s32 $0xFFFFFFFF;
	p2 =	slt.u32 s8, $0xFFFFF086  }
0x1c: {  	p1 =	slt.u32 s9, $0xF7A;
	s5 =	simm.s32 @!p2 $0x0  }
0x1d: {  	s5 =	simm.s32 @p1 $0x1;
	p0 =	seq.s32 s7, s2  }
0x1e: {  	s7 =	smul.u32 @!p0 $0xF7A, s2;
	p2 =	seq.s32 @!p0 s5, $0x0  }
0x1f: {  	s9 =	smul.u32 $0xF7A, s1;
	s8 =	simm.s32 @!p0 $0x1BF5;
	p2 =	por !p2, p0  }
0x20: {  	[sflag:s8] =	ssyncset.s32 @!p0 $0xFFFFF086;
	s6 =	sadd.s32 @!p0 s3, s7;
	s7 =	simm.s32 @!p0 $0x108  }
0x21: {  	s3 =	sadd.s32 s3, s9;
	s6 =	sadd.s32 @!p0 $0x88, s6;
	s7 =	simm.s32 @p2 $0x1082  }
0x22: {  	[simem:s7], [sflag:s8] =	dma.local @!p0 [hbm:s6], $0xF7A  }
0x23: {  	s9 =	sor.u32 $0xD0000000, s2;
	s6 =	simm.s32 $0x108;
	_ =	swait.ge @!p0 [sflag:s8], $0x0  }
0x24: {  	s3 =	sadd.s32 $0x88, s3;
	s6 =	simm.s32 @!p1 $0x1082;
	[sflag:s4] =	ssyncset.s32 $0xFFFFF086  }
0x25: {  	[simem:s6], [sflag:s4] =	dma.local [hbm:s3], $0xF7A  }
0x26: {  	[smem:$0x3F8C] =	sst s1;
	(tag) =	ssettag s2;
	_ =	strace s9  }
0x27: {  	s1 =	sld [smem:$0x3F9C]  }
0x28: {  	s2 =	sld [smem:$0x3F9D]  }
0x29: {  	s4 =	sld [smem:$0x3F9F]  }
0x2a: {  	p0 =	seq.s32 s5, $0x0;
	s5 =	sld [smem:$0x3FA0]  }
0x2b: {  	s6 =	sld [smem:$0x3FA1]  }
0x2c: {  	s7 =	sld [smem:$0x3FA2]  }
0x2d: {  	s3 =	simm.s32 $0x108;
	s8 =	sld [smem:$0x3FA3]  }
0x2e: {  	s3 =	simm.s32 @!p0 $0x1082;
	s9 =	sld [smem:$0x3FA4]  }
0x2f: {  	lr =	sadd.s32 s0, s3;
	s0 =	sld [smem:$0x3F9B]  }
0x30: {  	s3 =	sld [smem:$0x3F9E]  }
0x31: {  	[smem:$0x3FA7] =	sst s10  }
0x32: {  	s10 =	sld [smem:$0x3FA5];
	_ =	sdelay $0x3  }
0x33: {  	p0 =	seq.s32 s10, $0x1;
	s10 =	sld [smem:$0x3FA7];
	_ =	sdelay $0x3  }
0x34: {  	[smem:$0x3FA7] =	sst s10  }
0x35: {  	s10 =	sld [smem:$0x3FA6];
	_ =	sdelay $0x3  }
0x36: {  	p1 =	seq.s32 s10, $0x1;
	s10 =	sld [smem:$0x3FA7];
	_ =	sdelay $0x3  }
0x37: {  	[smem:$0x3FA7] =	sst s10  }
0x38: {  	s10 =	sld [smem:$0x3FA8]  }
0x39: {  	_ = 	snop;
	(pc) =	sbr.ind lr, $3  }
0x3a: {  	_ = 	snop  }
0x3b: {  	_ = 	snop  }
0x3c: {  	p2 =	seq.s32 s10, $0x1;
	s10 =	sld [smem:$0x3FA7]  }
0x3d: {  	_ =	shalt  }
0x3e: {  	_ =	shalt  }
0x3f: {  	_ =	shalt  }
0x40: {  	_ =	shalt  }
0x41: {  	_ =	shalt  }
0x42: {  	_ =	shalt  }
0x43: {  	_ =	shalt  }
0x44: {  	_ =	shalt  }
0x45: {  	_ =	shalt  }
0x46: {  	_ =	shalt  }
0x47: {  	_ =	shalt  }
0x48: {  	_ =	shalt  }
0x49: {  	_ =	shalt  }
0x4a: {  	_ =	shalt  }
0x4b: {  	_ =	shalt  }
0x4c: {  	_ =	shalt  }
0x4d: {  	_ =	shalt  }
0x4e: {  	_ =	shalt  }
0x4f: {  	_ =	shalt  }
0x50: {  	_ =	shalt  }
0x51: {  	_ =	shalt  }
0x52: {  	_ =	shalt  }
0x53: {  	_ =	shalt  }
0x54: {  	_ =	shalt  }
0x55: {  	_ =	shalt  }
0x56: {  	_ =	shalt  }
0x57: {  	_ =	shalt  }
0x58: {  	_ =	shalt  }
0x59: {  	_ =	shalt  }
0x5a: {  	_ =	shalt  }
0x5b: {  	_ =	shalt  }
0x5c: {  	_ =	shalt  }
0x5d: {  	_ =	shalt  }
0x5e: {  	_ =	shalt  }
0x5f: {  	_ =	shalt  }
0x60: {  	_ =	shalt  }
0x61: {  	_ =	shalt  }
0x62: {  	_ =	shalt  }
0x63: {  	_ =	shalt  }
0x64: {  	_ =	shalt  }
0x65: {  	_ =	shalt  }
0x66: {  	_ =	shalt  }
0x67: {  	_ =	shalt  }
0x68: {  	_ =	shalt  }
0x69: {  	_ =	shalt  }
0x6a: {  	_ =	shalt  }
0x6b: {  	_ =	shalt  }
0x6c: {  	_ =	shalt  }
0x6d: {  	_ =	shalt  }
0x6e: {  	_ =	shalt  }
0x6f: {  	_ =	shalt  }
0x70: {  	_ =	shalt  }
0x71: {  	_ =	shalt  }
0x72: {  	_ =	shalt  }
0x73: {  	_ =	shalt  }
0x74: {  	_ =	shalt  }
0x75: {  	_ =	shalt  }
0x76: {  	_ =	shalt  }
0x77: {  	_ =	shalt  }
0x78: {  	_ =	shalt  }
0x79: {  	_ =	shalt  }
0x7a: {  	_ =	shalt  }
0x7b: {  	_ =	shalt  }
0x7c: {  	_ =	shalt  }
0x7d: {  	_ =	shalt  }
0x7e: {  	_ =	shalt  }
0x7f: {  	_ =	shalt  }
0x80: {  	_ =	shalt  }
0x81: {  	_ =	shalt  }
0x82: {  	_ =	shalt  }
0x83: {  	_ =	shalt  }
0x84: {  	_ =	shalt  }
0x85: {  	_ =	shalt  }
0x86: {  	_ =	shalt  }
0x87: {  	_ =	shalt  }
.Lfunc_end0:
.L_simem_size_0:
called_computation.2_lowered:
.L_overlay_start_0:
0x88: {  	s2 =	sld [smem:$0x3FD9]  }
0x89: {  	s3 =	sld [smem:$0x3FFE];
	_ =	sdelay $0x1  }
0x8a: {  	s1 =	srdreg.scid  }
0x8b: {  	s0 =	sand.u32 $0x1, s1  }
0x8c: {  	s16 =	sshll.u32 s0, $0xA;
	s2 =	sadd.s32 s3, s2  }
0x8d: {  	s2 =	sadd.s32 s2, s16  }
0x8e: {  	[smem:$0x3FB3] =	sst s2  }
0x8f: {  	_ = 	snop  }
0x90: {  	(tm) =	ssettm $0x1  }
0x91: {  	s17 =	sld [smem:$0x3FFB];
	_ =	sdelay $0x3  }
0x92: {  	_ =	strace s17  }
0x93: {  	s2 =	sld [smem:$0x3FFC];
	_ =	sdelay $0x3  }
0x94: {  	_ =	strace s2  }
0x95: {  	s2 =	sld [smem:$0x3FFD];
	_ =	sdelay $0x3  }
0x96: {  	_ =	strace s2  }
0x97: {  	_ =	strace $0x8FFFFFFF  }
0x98: {  	s18 =	sld [smem:$0x3FDB];
	_ =	sdelay $0x1  }
0x99: {  	s19 =	simm.s32 $_scs_section_size  }
0x9a: {  	s4 =	simm.s32 $_size__tile_overlayer_lowered;
	s5 =	simm.s32 $_tile_overlayer_lowered  }
0x9b: {  	s22 =	simm.s32 $0x1BFF;
	s21 =	sshll.u32 s5, $0x1;
	s2 =	sadd.s32 s19, s18  }
0x9c: {  	s6 =	simm.s32 $0x0;
	s20 =	sshll.u32 s4, $0x1;
	s4 =	sadd.s32 s21, s2  }
0x9d: {  	[timem:s6], [sflag:s22] =	dma.local [hbm:s4], s20  }
0x9e: {  	_ =	swait.ge [sflag:s22], s20  }
0x9f: {  	s3 =	ssub.s32 $0x0, s20;
	[sflag:s22] =	ssyncset.done $0x0  }
0xa0: {  	[sflag:s22] =	ssyncadd.s32 s3;
	_ =	sdelay $0x1  }
0xa1: {  	s23 =	simm.s32 $0x1B8B  }
0xa2: {  	_ =	swait.ge [sflag:s23], $0x1  }
0xa3: {  	[sflag:s23] =	ssyncset.done $0x0  }
0xa4: {  	s25 =	simm.s32 $0x1B8E;
	s24 =	sld [smem:$0x3FFE];
	[sflag:s23] =	ssyncadd.s32 $0xFFFFFFFF  }
0xa5: {  	s26 =	simm.s32 $execute0_lowered;
	[smem:$0x3FD2] =	sst s25  }
0xa6: {  	s4 =	sshll.u32 s26, $0x1;
	_ =	strace $0x8000004C;
	[dreg:$0x1] =	wrdreg $0xFFFFFFFF  }
0xa7: {  	s28 =	simm.s32 $_size_execute0_lowered;
	s2 =	sadd.s32 s2, s4;
	[dreg:$0x0] =	wrdreg $0x0  }
0xa8: {  	s4 =	sshll.u32 s28, $0x1;
	[dreg:$0x2] =	wrdreg s2  }
0xa9: {  	[dreg:$0x3] =	wrdreg s4  }
0xaa: {  	[dreg:$0x4] =	wrdreg $0xC0  }
0xab: {  	_ =	task [dreg:s6], $0x5FFFF  }
0xac: {  	[dreg:$0x1] =	wrdreg $0xFFFFFFFF  }
0xad: {  	[dreg:$0x0] =	wrdreg $0x60  }
0xae: {  	[dreg:$0x2] =	wrdreg s24  }
0xaf: {  	[dreg:$0x3] =	wrdreg $0x90000  }
0xb0: {  	[dreg:$0x4] =	wrdreg $0x9  }
0xb1: {  	_ =	task.clear_ibuf [dreg:s6], $0x5FFFF;
	_ =	strace $0x9000004C  }
0xb2: {  	s29 =	simm.s32 $0x9;
	_ =	strace $0x8000004E  }
0xb3: {  	_ =	swait.ge [sflag:s29], $0x1  }
0xb4: {  	[sflag:s29] =	ssyncadd.s32 $0xFFFFFFFF  }
0xb5: {  	_ =	strace $0x9000004E  }
0xb6: {  	_ =	sfence  }
0xb7: {  	s30 =	sld [smem:$0x0];
	_ =	sdelay $0x2  }
0xb8: {  	s31 =	sshll.u32 s1, $0xD;
	s1 =	sshrl.u32 s1, $0x2  }
0xb9: {  	s3 =	sand.u32 $0x4000, s31;
	s1 =	sadd.s32 s1, s30  }
0xba: {  	s0 =	sor.u32 s3, s0;
	s1 =	sshll.u32 s1, $0x11  }
0xbb: {  	s0 =	sor.u32 s1, s0  }
0xbc: {  	s0 =	sadd.s32 $0x8F2B, s0  }
0xbd: {  	[sflag:s0] =	ssyncadd.remote.s32 $0x1  }
0xbe: {  	_ =	sfence.sel $0xFFFF  }
0xbf: {  	[dreg:$0x0] =	wrdreg $0xFFFFFFFF;
	(pc) =	sbr.abs _section_cstart, $3  }
0xc0: {  	[dreg:$0x1] =	wrdreg $0xFFFFFFFF  }
0xc1: {  	_ =	task.clear_ibuf [dreg:s6], $0x2FFFF;
	_ =	strace $0x9FFFFFFF  }
0xc2: {  	(tm) =	ssettm $0x7FFFFFFF  }
0xc3: {  	_ =	shalt  }
tec
execute0_lowered:
.L_overlay_start_1:
0x0: {  	(tag) =	ssettag $0x1  }
0x1: {  	s6 =	rddreg [dreg:$0x0]  }
0x2: {  	s2 =	rddreg [dreg:$0x1]  }
0x3: {  	s0 =	rddreg [dreg:$0x2];
	s3 =	simm.s32 $0x0;
	s1 =	stileid.u32  }
0x4: {  	s7 =	srdreg.scid;
	s21 =	simm.s32 $0x5000;
	s22 =	simm.s32 $0x0  }
0x5: {  	[smem:$0x7FF] =	sst s3;
	s10 =	smul.u32 $0x2800, s1;
	s4 =	sadd.s32 $0x5A600, s6  }
0x6: {  	s11 =	sadd.s32 $0x104600, s6;
	s7 =	sand.u32 $0x1, s7;
	s14 =	smul.u32 $0x50000, s1  }
0x7: {  	s13 =	sadd.s32 $0x1B8600, s6;
	s28 =	smul.u32 $0x14000, s1;
	s31 =	sshll.u32 s1, $0x6  }
0x8: {  	_ =	strace $0x8000004D;
	s9 =	ssub.s32 $0x2, s7;
	s12 =	smul.u32 $0x28000, s7  }
0x9: {  	s29 =	smul.u32 $0x140000, s7;
	s30 =	sor.u32 $0x2, s7;
	s5 =	sshrl.u32 s10, $0x3  }
0xa: {  	s24 =	sshrl.u32 s9, $0x1;
	s26 =	sshrl.u32 s14, $0x2;
	s16 =	smul.u32 $0x28000, s30  }
0xb: {  	s20 =	smul.u32 $0x140000, s30;
	s8 =	sadd.s32 s5, s6;
	s5 =	sadd.s32 $0x9600, s6  }
0xc: {  	s15 =	ssub.s32 s9, s24;
	s25 =	sadd.s32 s10, s12;
	s17 =	sadd.s32 s26, s2  }
0xd: {  	s14 =	sadd.s32 s28, s29;
	s6 =	sadd.s32 $0x4600, s8;
	s8 =	sshrl.u32 s25, $0x3  }
0xe: {  	s18 =	sadd.s32 $0x4000, s17;
	s19 =	sadd.s32 $0x8000, s17;
	s9 =	sadd.s32 $0x10000, s17  }
0xf: {  	s10 =	sadd.s32 s10, s16;
	s14 =	sshrl.u32 s14, $0x3;
	s12 =	sadd.s32 s28, s20  }
0x10: {  	s20 =	simm.s32 $0x80;
	s7 =	sadd.s32 s11, s8;
	s8 =	sadd.s32 $0xC000, s17  }
0x11: {  	s16 =	sshrl.u32 s10, $0x3;
	s10 =	sadd.s32 s13, s14;
	s12 =	sshrl.u32 s12, $0x3  }
0x12: {  	s14 =	simm.s32 $0x2800;
	s17 =	sshrl.u32 s17, $0x3;
	s18 =	sshrl.u32 s18, $0x3  }
0x13: {  	s19 =	sshrl.u32 s19, $0x3;
	s11 =	sadd.s32 s11, s16;
	s12 =	sadd.s32 s13, s12  }
0x14: {  	s13 =	smax.u32 s15, $0x1;
	s15 =	simm.s32 $0x1;
	s16 =	sor.u32 $0x1C01, s31  }
.LBB2_1:
0x15: {  	[tilespmem:s14], [sflag:$0x1] =	stream.linear.gather [hbm4b:s6+s3], $0x2800, $0x38;
	[tilespmem:$0x1D000] =	vst v63  }
0x16: {  	_ =	swait.ge [sflag:s15], $0x2800  }
0x17: {  	[sflag:s15] =	ssyncset.done $0x0  }
0x18: {  	[sflag:s15] =	ssyncadd.s32 $0xFFFFD800  }
0x19: {  	[tilespmem:s3], [sflag:$0x1] =	stream.linear.gather [hbm4b:s7+s3], $0x2800, $0x38;
	[tilespmem:$0x1D000] =	vst v63  }
0x1a: {  	_ =	swait.ge [sflag:s15], $0x2800  }
0x1b: {  	[sflag:s15] =	ssyncset.done $0x0  }
0x1c: {  	[sflag:s15] =	ssyncadd.s32 $0xFFFFD800  }
0x1d: {  	[spmem:s17], [sflag:s16] =	dma.local [hbm:s5], $0x800  }
0x1e: {  	_ =	swait.ge [sflag:s15], $0x800  }
0x1f: {  	[sflag:s15] =	ssyncset.done $0x0  }
0x20: {  	[sflag:s15] =	ssyncadd.s32 $0xFFFFF800  }
0x21: {  	[spmem:s18], [sflag:s16] =	dma.local [hbm:s5], $0x800  }
0x22: {  	_ =	swait.ge [sflag:s15], $0x800  }
0x23: {  	[sflag:s15] =	ssyncset.done $0x0  }
0x24: {  	[sflag:s15] =	ssyncadd.s32 $0xFFFFF800  }
0x25: {  	[spmem:s19], [sflag:s16] =	dma.local [hbm:s5], $0x800  }
0x26: {  	_ =	swait.ge [sflag:s15], $0x800  }
0x27: {  	[sflag:s15] =	ssyncset.done $0x0  }
0x28: {  	s23 =	sshrl.u32 s8, $0x3;
	[sflag:s15] =	ssyncadd.s32 $0xFFFFF800  }
0x29: {  	[spmem:s23], [sflag:s16] =	dma.local [hbm:s5], $0x800  }
0x2a: {  	_ =	swait.ge [sflag:s15], $0x800  }
0x2b: {  	[sflag:s15] =	ssyncset.done $0x0  }
0x2c: {  	s24 =	sshrl.u32 s9, $0x3;
	[sflag:s15] =	ssyncadd.s32 $0xFFFFF800  }
0x2d: {  	[spmem:s24], [sflag:s16] =	dma.local [hbm:s5], $0x800  }
0x2e: {  	_ =	swait.ge [sflag:s15], $0x800  }
0x2f: {  	[sflag:s15] =	ssyncset.done $0x0  }
0x30: {  	[sflag:s15] =	ssyncadd.s32 $0xFFFFF800  }
0x31: {  	s25 =	simm.s32 $0x0;
	[bflag:$0x0] =	sbarrier.arrive $0xFFFF  }
0x32: {  	[tilespmem:s21], [sflag:$0x1] =	stream.indirect.gather [hbm4b:s4+s20], $0x80, s25, s20, $0xb8;
	[tilespmem:$0x1D000] =	vst v63  }
0x33: {  	_ =	swait.ge [sflag:s15], $0x4000  }
0x34: {  	[sflag:s15] =	ssyncset.done $0x0  }
0x35: {  	s31 =	simm.s32 $0x2800;
	[sflag:s15] =	ssyncadd.s32 $0xFFFFC000  }
0x36: {  	[spmem:s2] =	stream.indirect.scatter.add.f32 [tilespmem:s21], [sflag:$0x1], $0x80, s31, s20, $0xb8;
	[tilespmem:$0x1D000] =	vst v63  }
0x37: {  	_ =	swait.ge [sflag:s15], $0x4000  }
0x38: {  	s26 =	simm.s32 $0x400;
	s25 =	simm.s32 $0x200;
	[sflag:s15] =	ssyncset.done $0x0  }
.LBB2_2:
0x39: {  	s28 =	sshra.s32 s25, $0x2  }
0x3a: {  	[sflag:s15] =	ssyncadd.s32 $0xFFFFC000;
	s25 =	smov.u32 s26;
	s29 =	sadd.s32 $0x200, s26  }
0x3b: {  	[tilespmem:s21], [sflag:$0x1] =	stream.indirect.gather [hbm4b:s4+s20], $0x80, s28, s20, $0xb8;
	[tilespmem:$0x1D000] =	vst v63  }
0x3c: {  	p0 =	sne.s32 s26, $0x9E00;
	_ =	swait.ge [sflag:s15], $0x4000  }
.Ltmp0:
0x3d: {  	[sflag:s15] =	ssyncset.done $0x0;
	(pc) =	sbr.rel @p0 .LBB2_2-.Ltmp0, $4  }
0x3e: {  	s26 =	sadd.s32 $0x2800, s28;
	[sflag:s15] =	ssyncadd.s32 $0xFFFFC000  }
0x3f: {  	[spmem:s2] =	stream.indirect.scatter.add.f32 [tilespmem:s21], [sflag:$0x1], $0x80, s26, s20, $0xb8;
	[tilespmem:$0x1D000] =	vst v63  }
0x40: {  	_ =	swait.ge [sflag:s15], $0x4000  }
0x41: {  	s26 =	smov.u32 s29;
	[sflag:s15] =	ssyncset.done $0x0  }
0x42: {  	s25 =	sshra.s32 s25, $0x2;
	[sflag:s15] =	ssyncadd.s32 $0xFFFFC000  }
0x43: {  	[tilespmem:s21], [sflag:$0x1] =	stream.indirect.gather [hbm4b:s4+s20], $0x80, s25, s20, $0xb8;
	[tilespmem:$0x1D000] =	vst v63  }
0x44: {  	_ =	swait.ge [sflag:s15], $0x4000  }
0x45: {  	[sflag:s15] =	ssyncset.done $0x0  }
0x46: {  	s25 =	sadd.s32 $0x2800, s25;
	[sflag:s15] =	ssyncadd.s32 $0xFFFFC000  }
0x47: {  	[spmem:s2] =	stream.indirect.scatter.add.f32 [tilespmem:s21], [sflag:$0x1], $0x80, s25, s20, $0xb8;
	[tilespmem:$0x1D000] =	vst v63  }
0x48: {  	_ =	swait.ge [sflag:s15], $0x4000  }
0x49: {  	[sflag:s15] =	ssyncset.done $0x0  }
0x4a: {  	[sflag:s15] =	ssyncadd.s32 $0xFFFFC000  }
0x4b: {  	[bflag:$0x0] =	sbarrier.arrive $0xFFFF  }
0x4c: {  	[hbm:s10], [sflag:s16] =	dma.local [spmem:s17], $0x2800  }
0x4d: {  	_ =	swait.ge [sflag:s15], $0x2800  }
0x4e: {  	[sflag:s15] =	ssyncset.done $0x0  }
0x4f: {  	s29 =	simm.s32 $0x0;
	[sflag:s15] =	ssyncadd.s32 $0xFFFFD800  }
0x50: {  	[tilespmem:s29], [sflag:$0x1] =	stream.linear.gather [hbm4b:s11+s29], $0x2800, $0x38;
	[tilespmem:$0x1D000] =	vst v63  }
0x51: {  	_ =	swait.ge [sflag:s15], $0x2800  }
0x52: {  	[sflag:s15] =	ssyncset.done $0x0  }
0x53: {  	[sflag:s15] =	ssyncadd.s32 $0xFFFFD800  }
0x54: {  	[spmem:s17], [sflag:s16] =	dma.local [hbm:s5], $0x800  }
0x55: {  	_ =	swait.ge [sflag:s15], $0x800  }
0x56: {  	[sflag:s15] =	ssyncset.done $0x0  }
0x57: {  	[sflag:s15] =	ssyncadd.s32 $0xFFFFF800  }
0x58: {  	[spmem:s18], [sflag:s16] =	dma.local [hbm:s5], $0x800  }
0x59: {  	_ =	swait.ge [sflag:s15], $0x800  }
0x5a: {  	[sflag:s15] =	ssyncset.done $0x0  }
0x5b: {  	[sflag:s15] =	ssyncadd.s32 $0xFFFFF800  }
0x5c: {  	[spmem:s19], [sflag:s16] =	dma.local [hbm:s5], $0x800  }
0x5d: {  	_ =	swait.ge [sflag:s15], $0x800  }
0x5e: {  	[sflag:s15] =	ssyncset.done $0x0  }
0x5f: {  	[sflag:s15] =	ssyncadd.s32 $0xFFFFF800  }
0x60: {  	[spmem:s23], [sflag:s16] =	dma.local [hbm:s5], $0x800  }
0x61: {  	_ =	swait.ge [sflag:s15], $0x800  }
0x62: {  	[sflag:s15] =	ssyncset.done $0x0  }
0x63: {  	[sflag:s15] =	ssyncadd.s32 $0xFFFFF800  }
0x64: {  	[spmem:s24], [sflag:s16] =	dma.local [hbm:s5], $0x800  }
0x65: {  	_ =	swait.ge [sflag:s15], $0x800  }
0x66: {  	[sflag:s15] =	ssyncset.done $0x0  }
0x67: {  	[sflag:s15] =	ssyncadd.s32 $0xFFFFF800  }
0x68: {  	s30 =	simm.s32 $0x0;
	[bflag:$0x0] =	sbarrier.arrive $0xFFFF  }
0x69: {  	[tilespmem:s21], [sflag:$0x1] =	stream.indirect.gather [hbm4b:s4+s20], $0x80, s30, s20, $0xb8;
	[tilespmem:$0x1D000] =	vst v63  }
0x6a: {  	_ =	swait.ge [sflag:s15], $0x4000  }
0x6b: {  	[sflag:s15] =	ssyncset.done $0x0  }
0x6c: {  	s31 =	simm.s32 $0x2800;
	[sflag:s15] =	ssyncadd.s32 $0xFFFFC000  }
0x6d: {  	[spmem:s2] =	stream.indirect.scatter.add.f32 [tilespmem:s21], [sflag:$0x1], $0x80, s31, s20, $0xb8;
	[tilespmem:$0x1D000] =	vst v63  }
0x6e: {  	_ =	swait.ge [sflag:s15], $0x4000  }
0x6f: {  	s23 =	simm.s32 $0x200;
	s24 =	simm.s32 $0x400;
	[sflag:s15] =	ssyncset.done $0x0  }
.LBB2_4:
0x70: {  	s25 =	sshra.s32 s23, $0x2  }
0x71: {  	[sflag:s15] =	ssyncadd.s32 $0xFFFFC000;
	s23 =	smov.u32 s24;
	s26 =	sadd.s32 $0x200, s24  }
0x72: {  	[tilespmem:s21], [sflag:$0x1] =	stream.indirect.gather [hbm4b:s4+s20], $0x80, s25, s20, $0xb8;
	[tilespmem:$0x1D000] =	vst v63  }
0x73: {  	p0 =	sne.s32 s24, $0x9E00;
	_ =	swait.ge [sflag:s15], $0x4000  }
.Ltmp1:
0x74: {  	[sflag:s15] =	ssyncset.done $0x0;
	(pc) =	sbr.rel @p0 .LBB2_4-.Ltmp1, $4  }
0x75: {  	s24 =	sadd.s32 $0x2800, s25;
	[sflag:s15] =	ssyncadd.s32 $0xFFFFC000  }
0x76: {  	[spmem:s2] =	stream.indirect.scatter.add.f32 [tilespmem:s21], [sflag:$0x1], $0x80, s24, s20, $0xb8;
	[tilespmem:$0x1D000] =	vst v63  }
0x77: {  	_ =	swait.ge [sflag:s15], $0x4000  }
0x78: {  	s24 =	smov.u32 s26;
	[sflag:s15] =	ssyncset.done $0x0  }
0x79: {  	s23 =	sshra.s32 s23, $0x2;
	[sflag:s15] =	ssyncadd.s32 $0xFFFFC000  }
0x7a: {  	[tilespmem:s21], [sflag:$0x1] =	stream.indirect.gather [hbm4b:s4+s20], $0x80, s23, s20, $0xb8;
	[tilespmem:$0x1D000] =	vst v63  }
0x7b: {  	_ =	swait.ge [sflag:s15], $0x4000  }
0x7c: {  	[sflag:s15] =	ssyncset.done $0x0  }
0x7d: {  	s23 =	sadd.s32 $0x2800, s23;
	[sflag:s15] =	ssyncadd.s32 $0xFFFFC000  }
0x7e: {  	[spmem:s2] =	stream.indirect.scatter.add.f32 [tilespmem:s21], [sflag:$0x1], $0x80, s23, s20, $0xb8;
	[tilespmem:$0x1D000] =	vst v63  }
0x7f: {  	_ =	swait.ge [sflag:s15], $0x4000  }
0x80: {  	s22 =	sadd.s32 $0x1, s22;
	[sflag:s15] =	ssyncset.done $0x0  }
0x81: {  	p0 =	sne.s32 s22, s13;
	[sflag:s15] =	ssyncadd.s32 $0xFFFFC000  }
.Ltmp2:
0x82: {  	[bflag:$0x0] =	sbarrier.arrive $0xFFFF;
	(pc) =	sbr.rel @p0 .LBB2_1-.Ltmp2, $4  }
0x83: {  	[hbm:s12], [sflag:s16] =	dma.local [spmem:s17], $0x2800  }
0x84: {  	_ =	swait.ge [sflag:s15], $0x2800  }
0x85: {  	[sflag:s15] =	ssyncset.done $0x0  }
0x86: {  	[sflag:s15] =	ssyncadd.s32 $0xFFFFD800  }
0x87: {  	_ =	sfence.sel $0x180000  }
0x88: {  	[bflag:$0x0] =	sbarrier.arrive $0xFFFF  }
0x89: {  	p0 =	sne.s32 s1, $0x0;
	_ =	strace $0x9000004D  }
0x8a: {  	s0 =	sadd.s32 @!p0 $0x100000, s0;
	[bflag:$0x2] =	sbarrier.arrive $0xFFFF  }
0x8b: {  	[sflag:s0] =	ssyncadd.tile.s32 @!p0 $0x1;
	_ =	shalt  }
.Lfunc_end2:
_tile_overlayer_lowered:
.L_overlay_start_2:
0x8c: {  	(tag) =	ssettag $0x2  }
0x8d: {  	s0 =	rddreg [dreg:$0x0];
	s2 =	stileid.u32  }
0x8e: {  	s1 =	rddreg [dreg:$0x1];
	p0 =	sne.s32 s2, $0x0  }
0x8f: {  	s3 =	rddreg [dreg:$0x2];
	[bflag:$0x3] =	sbarrier.arrive $0xFFFF;
	s2 =	simm.s32 @!p0 $0x1C01  }
0x90: {  	[timem:s3], [sflag:s2] =	dma.local @!p0 [hbm:s0], s1  }
0x91: {  	s0 =	simm.s32 @!p0 $0x1  }
0x92: {  	_ =	swait.ge @!p0 [sflag:s0], s1  }
0x93: {  	s1 =	ssub.s32 @!p0 $0x0, s1;
	[sflag:s0] =	ssyncset.done @!p0 $0x0  }
0x94: {  	[sflag:s0] =	ssyncadd.s32 @!p0 s1  }
0x95: {  	[bflag:$0x3] =	sbarrier.arrive $0xFFFF  }
0x96: {  	_ =	shalt  }

// kernel: kernel.8.cloned.1.call-start
scs
__scs_entry_jumppad:
0x0: {  	(pc) =	sbr.rel $0x88, $3  }
0x1: {  	(tag) =	ssettag $0x0;
	lr =	simm.s32 $0x1  }
0x2: {  	[smem:$0x3F8C] =	sst lr;
	_ =	strace $0xD0000000  }
0x3: {  	_ = 	snop  }
0x4: {  	_ = 	snop  }
0x5: {  	_ = 	snop  }
0x6: {  	_ = 	snop  }
0x7: {  	_ = 	snop  }
__scs_overlays_trampoline_lowered:
0x8: {  	[smem:$0x3F9B] =	sst s0  }
0x9: {  	[smem:$0x3F9C] =	sst s1  }
0xa: {  	[smem:$0x3F9D] =	sst s2  }
0xb: {  	[smem:$0x3F9E] =	sst s3  }
0xc: {  	[smem:$0x3F9F] =	sst s4  }
0xd: {  	[smem:$0x3FA0] =	sst s5  }
0xe: {  	[smem:$0x3FA1] =	sst s6  }
0xf: {  	[smem:$0x3FA2] =	sst s7  }
0x10: {  	[smem:$0x3FA3] =	sst s8  }
0x11: {  	[smem:$0x3FA4] =	sst s9;
	s0 =	simm.s32 @!p0 $0x0  }
0x12: {  	s1 =	sld [smem:$0x3F8A];
	s0 =	simm.s32 @p0 $0x1  }
0x13: {  	[smem:$0x3FA5] =	sst s0;
	s0 =	simm.s32 @!p1 $0x0  }
0x14: {  	s2 =	sld [smem:$0x3F89];
	s0 =	simm.s32 @p1 $0x1  }
0x15: {  	[smem:$0x3FA6] =	sst s0;
	s0 =	simm.s32 @!p2 $0x0  }
0x16: {  	s3 =	sld [smem:$0x3FDB];
	s0 =	simm.s32 @p2 $0x1  }
0x17: {  	s4 =	simm.s32 $0x1BF5;
	[smem:$0x3FA8] =	sst s0  }
0x18: {  	s0 =	sld [smem:$0x3F8B];
	_ =	swait.ge [sflag:s4], $0x0  }
0x19: {  	s7 =	sld [smem:$0x3F8C]  }
0x1a: {  	s8 =	sadd.s32 $0xFFFFE003, lr  }
0x1b: {  	s9 =	sadd.s32 $0xFFFFFEF7, lr;
	s5 =	simm.s32 $0xFFFFFFFF;
	p2 =	slt.u32 s8, $0xFFFFF086  }
0x1c: {  	p1 =	slt.u32 s9, $0xF7A;
	s5 =	simm.s32 @!p2 $0x0  }
0x1d: {  	s5 =	simm.s32 @p1 $0x1;
	p0 =	seq.s32 s7, s2  }
0x1e: {  	s7 =	smul.u32 @!p0 $0xF7A, s2;
	p2 =	seq.s32 @!p0 s5, $0x0  }
0x1f: {  	s9 =	smul.u32 $0xF7A, s1;
	s8 =	simm.s32 @!p0 $0x1BF5;
	p2 =	por !p2, p0  }
0x20: {  	[sflag:s8] =	ssyncset.s32 @!p0 $0xFFFFF086;
	s6 =	sadd.s32 @!p0 s3, s7;
	s7 =	simm.s32 @!p0 $0x108  }
0x21: {  	s3 =	sadd.s32 s3, s9;
	s6 =	sadd.s32 @!p0 $0x88, s6;
	s7 =	simm.s32 @p2 $0x1082  }
0x22: {  	[simem:s7], [sflag:s8] =	dma.local @!p0 [hbm:s6], $0xF7A  }
0x23: {  	s9 =	sor.u32 $0xD0000000, s2;
	s6 =	simm.s32 $0x108;
	_ =	swait.ge @!p0 [sflag:s8], $0x0  }
0x24: {  	s3 =	sadd.s32 $0x88, s3;
	s6 =	simm.s32 @!p1 $0x1082;
	[sflag:s4] =	ssyncset.s32 $0xFFFFF086  }
0x25: {  	[simem:s6], [sflag:s4] =	dma.local [hbm:s3], $0xF7A  }
0x26: {  	[smem:$0x3F8C] =	sst s1;
	(tag) =	ssettag s2;
	_ =	strace s9  }
0x27: {  	s1 =	sld [smem:$0x3F9C]  }
0x28: {  	s2 =	sld [smem:$0x3F9D]  }
0x29: {  	s4 =	sld [smem:$0x3F9F]  }
0x2a: {  	p0 =	seq.s32 s5, $0x0;
	s5 =	sld [smem:$0x3FA0]  }
0x2b: {  	s6 =	sld [smem:$0x3FA1]  }
0x2c: {  	s7 =	sld [smem:$0x3FA2]  }
0x2d: {  	s3 =	simm.s32 $0x108;
	s8 =	sld [smem:$0x3FA3]  }
0x2e: {  	s3 =	simm.s32 @!p0 $0x1082;
	s9 =	sld [smem:$0x3FA4]  }
0x2f: {  	lr =	sadd.s32 s0, s3;
	s0 =	sld [smem:$0x3F9B]  }
0x30: {  	s3 =	sld [smem:$0x3F9E]  }
0x31: {  	[smem:$0x3FA7] =	sst s10  }
0x32: {  	s10 =	sld [smem:$0x3FA5];
	_ =	sdelay $0x3  }
0x33: {  	p0 =	seq.s32 s10, $0x1;
	s10 =	sld [smem:$0x3FA7];
	_ =	sdelay $0x3  }
0x34: {  	[smem:$0x3FA7] =	sst s10  }
0x35: {  	s10 =	sld [smem:$0x3FA6];
	_ =	sdelay $0x3  }
0x36: {  	p1 =	seq.s32 s10, $0x1;
	s10 =	sld [smem:$0x3FA7];
	_ =	sdelay $0x3  }
0x37: {  	[smem:$0x3FA7] =	sst s10  }
0x38: {  	s10 =	sld [smem:$0x3FA8]  }
0x39: {  	_ = 	snop;
	(pc) =	sbr.ind lr, $3  }
0x3a: {  	_ = 	snop  }
0x3b: {  	_ = 	snop  }
0x3c: {  	p2 =	seq.s32 s10, $0x1;
	s10 =	sld [smem:$0x3FA7]  }
0x3d: {  	_ =	shalt  }
0x3e: {  	_ =	shalt  }
0x3f: {  	_ =	shalt  }
0x40: {  	_ =	shalt  }
0x41: {  	_ =	shalt  }
0x42: {  	_ =	shalt  }
0x43: {  	_ =	shalt  }
0x44: {  	_ =	shalt  }
0x45: {  	_ =	shalt  }
0x46: {  	_ =	shalt  }
0x47: {  	_ =	shalt  }
0x48: {  	_ =	shalt  }
0x49: {  	_ =	shalt  }
0x4a: {  	_ =	shalt  }
0x4b: {  	_ =	shalt  }
0x4c: {  	_ =	shalt  }
0x4d: {  	_ =	shalt  }
0x4e: {  	_ =	shalt  }
0x4f: {  	_ =	shalt  }
0x50: {  	_ =	shalt  }
0x51: {  	_ =	shalt  }
0x52: {  	_ =	shalt  }
0x53: {  	_ =	shalt  }
0x54: {  	_ =	shalt  }
0x55: {  	_ =	shalt  }
0x56: {  	_ =	shalt  }
0x57: {  	_ =	shalt  }
0x58: {  	_ =	shalt  }
0x59: {  	_ =	shalt  }
0x5a: {  	_ =	shalt  }
0x5b: {  	_ =	shalt  }
0x5c: {  	_ =	shalt  }
0x5d: {  	_ =	shalt  }
0x5e: {  	_ =	shalt  }
0x5f: {  	_ =	shalt  }
0x60: {  	_ =	shalt  }
0x61: {  	_ =	shalt  }
0x62: {  	_ =	shalt  }
0x63: {  	_ =	shalt  }
0x64: {  	_ =	shalt  }
0x65: {  	_ =	shalt  }
0x66: {  	_ =	shalt  }
0x67: {  	_ =	shalt  }
0x68: {  	_ =	shalt  }
0x69: {  	_ =	shalt  }
0x6a: {  	_ =	shalt  }
0x6b: {  	_ =	shalt  }
0x6c: {  	_ =	shalt  }
0x6d: {  	_ =	shalt  }
0x6e: {  	_ =	shalt  }
0x6f: {  	_ =	shalt  }
0x70: {  	_ =	shalt  }
0x71: {  	_ =	shalt  }
0x72: {  	_ =	shalt  }
0x73: {  	_ =	shalt  }
0x74: {  	_ =	shalt  }
0x75: {  	_ =	shalt  }
0x76: {  	_ =	shalt  }
0x77: {  	_ =	shalt  }
0x78: {  	_ =	shalt  }
0x79: {  	_ =	shalt  }
0x7a: {  	_ =	shalt  }
0x7b: {  	_ =	shalt  }
0x7c: {  	_ =	shalt  }
0x7d: {  	_ =	shalt  }
0x7e: {  	_ =	shalt  }
0x7f: {  	_ =	shalt  }
0x80: {  	_ =	shalt  }
0x81: {  	_ =	shalt  }
0x82: {  	_ =	shalt  }
0x83: {  	_ =	shalt  }
0x84: {  	_ =	shalt  }
0x85: {  	_ =	shalt  }
0x86: {  	_ =	shalt  }
0x87: {  	_ =	shalt  }
.Lfunc_end0:
.L_simem_size_0:
called_computation_lowered:
.L_overlay_start_0:
0x88: {  	s2 =	sld [smem:$0x3FD9]  }
0x89: {  	s3 =	sld [smem:$0x3FFE];
	_ =	sdelay $0x1  }
0x8a: {  	s1 =	srdreg.scid  }
0x8b: {  	s0 =	sand.u32 $0x1, s1  }
0x8c: {  	s16 =	sshll.u32 s0, $0xA;
	s2 =	sadd.s32 s3, s2  }
0x8d: {  	s2 =	sadd.s32 s2, s16  }
0x8e: {  	[smem:$0x3FB3] =	sst s2  }
0x8f: {  	_ = 	snop  }
0x90: {  	(tm) =	ssettm $0x1  }
0x91: {  	s17 =	sld [smem:$0x3FFB];
	_ =	sdelay $0x3  }
0x92: {  	_ =	strace s17  }
0x93: {  	s2 =	sld [smem:$0x3FFC];
	_ =	sdelay $0x3  }
0x94: {  	_ =	strace s2  }
0x95: {  	s2 =	sld [smem:$0x3FFD];
	_ =	sdelay $0x3  }
0x96: {  	_ =	strace s2  }
0x97: {  	_ =	strace $0x8FFFFFFF  }
0x98: {  	s18 =	sld [smem:$0x3FDB];
	_ =	sdelay $0x1  }
0x99: {  	s19 =	simm.s32 $_scs_section_size  }
0x9a: {  	s4 =	simm.s32 $_size__tile_overlayer_lowered;
	s5 =	simm.s32 $_tile_overlayer_lowered  }
0x9b: {  	s22 =	simm.s32 $0x1BFF;
	s21 =	sshll.u32 s5, $0x1;
	s2 =	sadd.s32 s19, s18  }
0x9c: {  	s6 =	simm.s32 $0x0;
	s20 =	sshll.u32 s4, $0x1;
	s4 =	sadd.s32 s21, s2  }
0x9d: {  	[timem:s6], [sflag:s22] =	dma.local [hbm:s4], s20  }
0x9e: {  	_ =	swait.ge [sflag:s22], s20  }
0x9f: {  	s3 =	ssub.s32 $0x0, s20;
	[sflag:s22] =	ssyncset.done $0x0  }
0xa0: {  	[sflag:s22] =	ssyncadd.s32 s3;
	_ =	sdelay $0x1  }
0xa1: {  	s23 =	simm.s32 $0x1B8B  }
0xa2: {  	_ =	swait.ge [sflag:s23], $0x1  }
0xa3: {  	[sflag:s23] =	ssyncset.done $0x0  }
0xa4: {  	s25 =	simm.s32 $0x1B8E;
	s24 =	sld [smem:$0x3FFE];
	[sflag:s23] =	ssyncadd.s32 $0xFFFFFFFF  }
0xa5: {  	s26 =	simm.s32 $execute0_lowered;
	[smem:$0x3FD2] =	sst s25  }
0xa6: {  	s4 =	sshll.u32 s26, $0x1;
	_ =	strace $0x80000046;
	[dreg:$0x1] =	wrdreg $0xFFFFFFFF  }
0xa7: {  	s28 =	simm.s32 $_size_execute0_lowered;
	s2 =	sadd.s32 s2, s4;
	[dreg:$0x0] =	wrdreg $0x0  }
0xa8: {  	s4 =	sshll.u32 s28, $0x1;
	[dreg:$0x2] =	wrdreg s2  }
0xa9: {  	[dreg:$0x3] =	wrdreg s4  }
0xaa: {  	[dreg:$0x4] =	wrdreg $0xC0  }
0xab: {  	_ =	task [dreg:s6], $0x5FFFF  }
0xac: {  	[dreg:$0x1] =	wrdreg $0xFFFFFFFF  }
0xad: {  	[dreg:$0x0] =	wrdreg $0x60  }
0xae: {  	[dreg:$0x2] =	wrdreg s24  }
0xaf: {  	[dreg:$0x3] =	wrdreg $0x54000  }
0xb0: {  	[dreg:$0x4] =	wrdreg $0x9  }
0xb1: {  	_ =	task.clear_ibuf [dreg:s6], $0x5FFFF;
	_ =	strace $0x90000046  }
0xb2: {  	s29 =	simm.s32 $0x9;
	_ =	strace $0x80000048  }
0xb3: {  	_ =	swait.ge [sflag:s29], $0x1  }
0xb4: {  	[sflag:s29] =	ssyncadd.s32 $0xFFFFFFFF  }
0xb5: {  	_ =	strace $0x90000048  }
0xb6: {  	_ =	sfence  }
0xb7: {  	s30 =	sld [smem:$0x0];
	_ =	sdelay $0x2  }
0xb8: {  	s31 =	sshll.u32 s1, $0xD;
	s1 =	sshrl.u32 s1, $0x2  }
0xb9: {  	s3 =	sand.u32 $0x4000, s31;
	s1 =	sadd.s32 s1, s30  }
0xba: {  	s0 =	sor.u32 s3, s0;
	s1 =	sshll.u32 s1, $0x11  }
0xbb: {  	s0 =	sor.u32 s1, s0  }
0xbc: {  	s0 =	sadd.s32 $0x8F2B, s0  }
0xbd: {  	[sflag:s0] =	ssyncadd.remote.s32 $0x1  }
0xbe: {  	_ =	sfence.sel $0xFFFF  }
0xbf: {  	[dreg:$0x0] =	wrdreg $0xFFFFFFFF;
	(pc) =	sbr.abs _section_cstart, $3  }
0xc0: {  	[dreg:$0x1] =	wrdreg $0xFFFFFFFF  }
0xc1: {  	_ =	task.clear_ibuf [dreg:s6], $0x2FFFF;
	_ =	strace $0x9FFFFFFF  }
0xc2: {  	(tm) =	ssettm $0x7FFFFFFF  }
0xc3: {  	_ =	shalt  }
tec
execute0_lowered:
.L_overlay_start_1:
0x0: {  	(tag) =	ssettag $0x1  }
0x1: {  	s1 =	srdreg.scid;
	s6 =	rddreg [dreg:$0x0]  }
0x2: {  	s0 =	stileid.u32;
	s2 =	rddreg [dreg:$0x1];
	s3 =	simm.s32 $0x0  }
0x3: {  	s17 =	simm.s32 $0x80;
	s18 =	simm.s32 $0x0;
	s7 =	sand.u32 $0x1, s1  }
0x4: {  	s29 =	sshll.u32 s0, $0x1;
	s1 =	rddreg [dreg:$0x2];
	s9 =	smul.u32 $0x14000, s0  }
0x5: {  	[smem:$0x7FF] =	sst s3;
	s11 =	smul.u32 $0x50000, s0;
	s5 =	sadd.s32 $0x9600, s6  }
0x6: {  	s31 =	sshll.u32 s0, $0x6;
	s4 =	sor.u32 s7, s29;
	s8 =	smul.u32 $0x140000, s7  }
0x7: {  	_ =	strace $0x80000047;
	s7 =	ssub.s32 $0x2, s7;
	s4 =	smul.u32 $0x280, s4  }
0x8: {  	s30 =	sshrl.u32 s7, $0x1;
	s11 =	sshrl.u32 s11, $0x2;
	s8 =	sadd.s32 s9, s8  }
0x9: {  	s9 =	ssub.s32 s7, s30;
	s12 =	sadd.s32 s11, s2;
	s11 =	sor.u32 $0x1C01, s31  }
0xa: {  	s10 =	sadd.s32 s4, s6;
	s4 =	sadd.s32 $0x9E00, s6;
	s8 =	sshrl.u32 s8, $0x3  }
0xb: {  	s13 =	sadd.s32 $0x4000, s12;
	s14 =	sadd.s32 $0x8000, s12;
	s15 =	sadd.s32 $0xC000, s12  }
0xc: {  	s16 =	sadd.s32 $0x10000, s12;
	s12 =	sshrl.u32 s12, $0x3;
	s8 =	sadd.s32 s8, s6  }
0xd: {  	s6 =	sadd.s32 $0x4600, s10;
	s10 =	simm.s32 $0x1;
	s13 =	sshrl.u32 s13, $0x3  }
0xe: {  	s14 =	sshrl.u32 s14, $0x3;
	s15 =	sshrl.u32 s15, $0x3;
	s16 =	sshrl.u32 s16, $0x3  }
0xf: {  	s7 =	sadd.s32 $0xA600, s8;
	s8 =	smax.u32 s9, $0x1;
	s9 =	simm.s32 $0x1400  }
.LBB2_1:
0x10: {  	[tilespmem:s9], [sflag:$0x1] =	stream.linear.gather [hbm4b:s4+s3], $0x4000, $0x38;
	[tilespmem:$0x19400] =	vst v63  }
0x11: {  	_ =	swait.ge [sflag:s10], $0x4000  }
0x12: {  	[sflag:s10] =	ssyncset.done $0x0  }
0x13: {  	[sflag:s10] =	ssyncadd.s32 $0xFFFFC000  }
0x14: {  	[spmem:s12], [sflag:s11] =	dma.local [hbm:s5], $0x800  }
0x15: {  	_ =	swait.ge [sflag:s10], $0x800  }
0x16: {  	[sflag:s10] =	ssyncset.done $0x0  }
0x17: {  	[sflag:s10] =	ssyncadd.s32 $0xFFFFF800  }
0x18: {  	[spmem:s13], [sflag:s11] =	dma.local [hbm:s5], $0x800  }
0x19: {  	_ =	swait.ge [sflag:s10], $0x800  }
0x1a: {  	[sflag:s10] =	ssyncset.done $0x0  }
0x1b: {  	[sflag:s10] =	ssyncadd.s32 $0xFFFFF800  }
0x1c: {  	[spmem:s14], [sflag:s11] =	dma.local [hbm:s5], $0x800  }
0x1d: {  	_ =	swait.ge [sflag:s10], $0x800  }
0x1e: {  	[sflag:s10] =	ssyncset.done $0x0  }
0x1f: {  	[sflag:s10] =	ssyncadd.s32 $0xFFFFF800  }
0x20: {  	[spmem:s15], [sflag:s11] =	dma.local [hbm:s5], $0x800  }
0x21: {  	_ =	swait.ge [sflag:s10], $0x800  }
0x22: {  	[sflag:s10] =	ssyncset.done $0x0  }
0x23: {  	[sflag:s10] =	ssyncadd.s32 $0xFFFFF800  }
0x24: {  	[spmem:s16], [sflag:s11] =	dma.local [hbm:s5], $0x800  }
0x25: {  	_ =	swait.ge [sflag:s10], $0x800  }
0x26: {  	[sflag:s10] =	ssyncset.done $0x0  }
0x27: {  	[sflag:s10] =	ssyncadd.s32 $0xFFFFF800  }
0x28: {  	[tilespmem:s3], [sflag:$0x1] =	stream.linear.gather [hbm4b:s6+s3], $0x1400, $0x38;
	[tilespmem:$0x19400] =	vst v63  }
0x29: {  	_ =	swait.ge [sflag:s10], $0x1400  }
0x2a: {  	[sflag:s10] =	ssyncset.done $0x0  }
0x2b: {  	[sflag:s10] =	ssyncadd.s32 $0xFFFFEC00  }
0x2c: {  	s19 =	simm.s32 $0x0;
	[bflag:$0x0] =	sbarrier.arrive $0xFFFF  }
0x2d: {  	[spmem:s2] =	stream.indirect.scatter.add.f32 [tilespmem:s9], [sflag:$0x1], $0x80, s19, s17, $0xb8;
	[tilespmem:$0x19400] =	vst v63  }
0x2e: {  	_ =	swait.ge [sflag:s10], $0x4000  }
0x2f: {  	s19 =	simm.s32 $0x200;
	[sflag:s10] =	ssyncset.done $0x0  }
.LBB2_2:
0x30: {  	s20 =	sshra.s32 s19, $0x2;
	[sflag:s10] =	ssyncadd.s32 $0xFFFFC000;
	p0 =	sne.s32 s19, $0x4E00  }
0x31: {  	[spmem:s2] =	stream.indirect.scatter.add.f32 [tilespmem:s9], [sflag:$0x1], $0x80, s20, s17, $0xb8;
	[tilespmem:$0x19400] =	vst v63  }
.Ltmp0:
0x32: {  	_ = 	snop;
	(pc) =	sbr.rel @p0 .LBB2_2-.Ltmp0, $4  }
0x33: {  	_ = 	snop  }
0x34: {  	s19 =	sadd.s32 $0x200, s19  }
0x35: {  	_ =	swait.ge [sflag:s10], $0x4000  }
0x36: {  	[sflag:s10] =	ssyncset.done $0x0  }
0x37: {  	s18 =	sadd.s32 $0x1, s18  }
0x38: {  	[sflag:s10] =	ssyncadd.s32 $0xFFFFC000;
	p0 =	sne.s32 s18, s8  }
.Ltmp1:
0x39: {  	[bflag:$0x0] =	sbarrier.arrive $0xFFFF;
	(pc) =	sbr.rel @p0 .LBB2_1-.Ltmp1, $4  }
0x3a: {  	[hbm:s7], [sflag:s11] =	dma.local [spmem:s12], $0x2800  }
0x3b: {  	_ =	swait.ge [sflag:s10], $0x2800  }
0x3c: {  	[sflag:s10] =	ssyncset.done $0x0  }
0x3d: {  	[sflag:s10] =	ssyncadd.s32 $0xFFFFD800  }
0x3e: {  	_ =	sfence.sel $0x180000  }
0x3f: {  	[bflag:$0x0] =	sbarrier.arrive $0xFFFF  }
0x40: {  	p0 =	sne.s32 s0, $0x0;
	_ =	strace $0x90000047  }
0x41: {  	s0 =	sadd.s32 @!p0 $0x100000, s1;
	[bflag:$0x2] =	sbarrier.arrive $0xFFFF  }
0x42: {  	[sflag:s0] =	ssyncadd.tile.s32 @!p0 $0x1;
	_ =	shalt  }
.Lfunc_end2:
_tile_overlayer_lowered:
.L_overlay_start_2:
0x43: {  	(tag) =	ssettag $0x2  }
0x44: {  	s0 =	rddreg [dreg:$0x0];
	s2 =	stileid.u32  }
0x45: {  	s1 =	rddreg [dreg:$0x1];
	p0 =	sne.s32 s2, $0x0  }
0x46: {  	s3 =	rddreg [dreg:$0x2];
	[bflag:$0x3] =	sbarrier.arrive $0xFFFF;
	s2 =	simm.s32 @!p0 $0x1C01  }
0x47: {  	[timem:s3], [sflag:s2] =	dma.local @!p0 [hbm:s0], s1  }
0x48: {  	s0 =	simm.s32 @!p0 $0x1  }
0x49: {  	_ =	swait.ge @!p0 [sflag:s0], s1  }
0x4a: {  	s1 =	ssub.s32 @!p0 $0x0, s1;
	[sflag:s0] =	ssyncset.done @!p0 $0x0  }
0x4b: {  	[sflag:s0] =	ssyncadd.s32 @!p0 s1  }
0x4c: {  	[bflag:$0x3] =	sbarrier.arrive $0xFFFF  }
0x4d: {  	_ =	shalt  }

</sc_bundles>
